<compile_context>
chip_gen: v7x
topology: tpu7x:2x2x1
jax: 0.10.2.dev20260603
libtpu: 0.0.44.dev20260713+nightly
codegen_flags: <defaults>
</compile_context>

<pallas_src>
import functools

import jax
import jax.numpy as jnp
from jax import lax
from jax.experimental import pallas as pl
from jax.experimental.pallas import tpu as pltpu
from jax.experimental.pallas import tpu_sc as plsc

L = 16


def _sc_body(
    tok_hbm, k_hbm, out_hbm,
    tok0_v, tok1_v, out0_v, out1_v, carr_v, k_v,
    sem_in0, sem_in1, sem_out0, sem_out1,
):
    B, S = tok_hbm.shape
    n_chunks = S // L
    cid = lax.axis_index("c")
    sid = lax.axis_index("s")
    wid = sid * 2 + cid
    row0 = wid * 2
    row1 = row0 + 1

    in0 = pltpu.async_copy(tok_hbm.at[row0], tok0_v, sem_in0)
    in1 = pltpu.async_copy(tok_hbm.at[row1], tok1_v, sem_in1)
    pltpu.sync_copy(k_hbm, k_v)
    k_vec = k_v[...]
    lane = lax.iota(jnp.int32, L)
    zero_v = jnp.zeros((L,), jnp.int32)
    one_v = jnp.ones((L,), jnp.int32)

    def process_row(tok_v, out_v):
        c0 = tok_v[pl.ds(0, L)]
        tok_v[pl.ds(0, L)] = jnp.where(lane == 0, 0, c0)
        cl = tok_v[pl.ds(S - L, L)]
        tok_v[pl.ds(S - L, L)] = jnp.where(lane == L - 1, 0, cl)

        @plsc.parallel_loop(0, n_chunks, carry=zero_v, unroll=8)
        def acc_v(i, acc):
            v = tok_v[pl.ds(i * L, L)]
            mi = jnp.minimum(v, one_v)
            w = plsc.cumsum(mi)
            carr_v[i] = w[L - 1]
            return acc + mi

        n_s = jnp.sum(acc_v)

        @plsc.parallel_loop(0, n_chunks, carry=(jnp.int32(0), lane + n_s), unroll=8)
        def _(i, carry):
            c, np_v = carry
            v = tok_v[pl.ds(i * L, L)]
            mi = jnp.minimum(v, one_v)
            cn = plsc.cumsum(mi) + c
            rank = jnp.where(mi > 0, cn, np_v - cn)
            out_v[pl.ds(i * L, L)] = jnp.where(rank < k_vec, one_v, zero_v)
            return c + carr_v[i], np_v + L

        o0 = out_v[pl.ds(0, L)]
        out_v[pl.ds(0, L)] = jnp.where(lane == 0, one_v, o0)

    in0.wait()
    process_row(tok0_v, out0_v)
    o0 = pltpu.async_copy(out0_v, out_hbm.at[row0], sem_out0)
    in1.wait()
    process_row(tok1_v, out1_v)
    o1 = pltpu.async_copy(out1_v, out_hbm.at[row1], sem_out1)
    o0.wait()
    o1.wait()


def kernel(token_sequence, embedding_sequence, compression_rate):
    del embedding_sequence
    B, S = token_sequence.shape
    k = jnp.maximum(jnp.asarray(S * (1 - compression_rate)), 1).astype(jnp.int32)
    k_arr = jnp.full((L,), k, jnp.int32)
    mesh = plsc.VectorSubcoreMesh(core_axis_name="c", subcore_axis_name="s")
    sc_call = functools.partial(
        pl.kernel,
        out_type=jax.ShapeDtypeStruct((B, S), jnp.int32),
        mesh=mesh,
        scratch_types=[
            pltpu.VMEM((S,), jnp.int32),
            pltpu.VMEM((S,), jnp.int32),
            pltpu.VMEM((S,), jnp.int32),
            pltpu.VMEM((S,), jnp.int32),
            pltpu.SMEM((S // L,), jnp.int32),
            pltpu.VMEM((L,), jnp.int32),
            pltpu.SemaphoreType.DMA,
            pltpu.SemaphoreType.DMA,
            pltpu.SemaphoreType.DMA,
            pltpu.SemaphoreType.DMA,
        ],
        compiler_params=pltpu.CompilerParams(needs_layout_passes=False),
    )
    out_i32 = sc_call(_sc_body)(token_sequence, k_arr)
    y_hard = out_i32.astype(jnp.bool_)
    return (y_hard, y_hard)

# --- scband reference (transcript-rebuilt; emitter-appended) ---
"""Pipeline reference for scband-tail-compression-module-20753281974882 (READ-ONLY COPY).

The authoritative reference and input builder live on the scoring server;
editing this copy changes nothing except your own understanding.
"""

import jax, jax.numpy as jnp
import numpy as np

B, S, D = 64, 8192, 64
VOCAB = 32000


def setup_inputs(seed: int = 0) -> dict:
    key = jax.random.key(seed)
    k1, k2 = jax.random.split(key)
    token_sequence = jax.random.randint(k1, (B, S), 0, VOCAB, dtype=jnp.int32)
    embedding_sequence = jnp.zeros((B, S, D), dtype=jnp.float32)
    compression_rate = 1  # python int scalar (harness passes shape=[] int as literal)
    return {
        "token_sequence": token_sequence,
        "embedding_sequence": embedding_sequence,
        "compression_rate": compression_rate,
    }


def select_k(y_soft, k, keep_first_unit=True):
    # faithful translation of the torch select_k: double-argsort rank trick
    if keep_first_unit:
        y_soft = y_soft.at[:, 0].set(y_soft.min() - 1)
    sorted_idx = jnp.argsort(y_soft, axis=-1)        # indices from ascending sort
    ranks = jnp.argsort(sorted_idx, axis=-1)         # sort the indices -> ranks
    y_hard = ranks < k
    return y_hard


def reference(token_sequence, embedding_sequence, compression_rate):
    token_mask = (token_sequence > 0)
    seq_len = embedding_sequence.shape[1]
    remain_tokens_num = jnp.asarray(seq_len * (1 - compression_rate)).astype(jnp.int32)
    remain_tokens_num = jnp.maximum(remain_tokens_num, 1)
    # torch.range(1, S) is inclusive -> length S
    position_idx = jnp.arange(1, seq_len + 1, dtype=jnp.int32)[None, :]
    position_idx = position_idx - seq_len
    position_idx = jnp.tile(position_idx, (embedding_sequence.shape[0], 1))
    position_idx = position_idx * token_mask.astype(jnp.int32)
    y_hard = select_k(position_idx, remain_tokens_num)
    return (y_hard, y_hard)

if __name__ == "__main__":
    import jax
    _d = setup_inputs()
    print(jax.jit(kernel)(*tuple(_d.values())))

</pallas_src>

<mosaic_0001>
#map = affine_map<(d0, d1) -> (0, 0)>
#map1 = affine_map<(d0, d1) -> (0)>
module attributes {stable_mosaic.version = 14 : i64} {
  func.func @_sc_body(%arg0: i32, %arg1: i32, %arg2: memref<64x8192xi32, #tpu.memory_space<hbm>>, %arg3: memref<16xi32, #tpu.memory_space<hbm>>, %arg4: memref<64x8192xi32, #tpu.memory_space<hbm>>, %arg5: memref<8192xi32, #tpu.memory_space<vmem>>, %arg6: memref<8192xi32, #tpu.memory_space<vmem>>, %arg7: memref<8192xi32, #tpu.memory_space<vmem>>, %arg8: memref<8192xi32, #tpu.memory_space<vmem>>, %arg9: memref<512xi32, #tpu.memory_space<smem>>, %arg10: memref<16xi32, #tpu.memory_space<vmem>>, %arg11: memref<!tpu.dma_semaphore, #tpu.memory_space<semaphore_mem>>, %arg12: memref<!tpu.dma_semaphore, #tpu.memory_space<semaphore_mem>>, %arg13: memref<!tpu.dma_semaphore, #tpu.memory_space<semaphore_mem>>, %arg14: memref<!tpu.dma_semaphore, #tpu.memory_space<semaphore_mem>>) attributes {dimension_semantics = [#tpu.dimension_semantics<core_parallel>, #tpu.dimension_semantics<subcore_parallel>], iteration_bounds = array<i64: 2, 16>, scalar_prefetch = 0 : i64, scratch_operands = 10 : i64, tpu.core_type = #tpu.core_type<sc_vector_subcore>, window_params = [{transform_indices = #map}, {transform_indices = #map1}, {transform_indices = #map}]} {
    %mul3A = arith.constant 2 : i32
    %mul3A_0 = arith.muli %arg1, %mul3A : i32
    %add3A = arith.addi %mul3A_0, %arg0 : i32
    %mul3A_1 = arith.constant 2 : i32
    %mul3A_2 = arith.muli %add3A, %mul3A_1 : i32
    %add3A_3 = arith.constant 1 : i32
    %add3A_4 = arith.addi %mul3A_2, %add3A_3 : i32
    %dma_start3A = arith.constant 0 : i32
    %dma_start3A_5 = tpu.memref_slice %arg2[%mul3A_2, %dma_start3A] : memref<64x8192xi32, #tpu.memory_space<hbm>> -> memref<1x8192xi32, #tpu.memory_space<hbm>>
    %dma_start3A_6 = tpu.memref_squeeze %dma_start3A_5 : memref<1x8192xi32, #tpu.memory_space<hbm>> -> memref<8192xi32, #tpu.memory_space<hbm>>
    %dma_start3A_7 = arith.constant 0 : i32
    %dma_start3A_8 = tpu.memref_slice %arg2[%mul3A_2, %dma_start3A_7] : memref<64x8192xi32, #tpu.memory_space<hbm>> -> memref<1x8192xi32, #tpu.memory_space<hbm>>
    %dma_start3A_9 = tpu.memref_squeeze %dma_start3A_8 : memref<1x8192xi32, #tpu.memory_space<hbm>> -> memref<8192xi32, #tpu.memory_space<hbm>>
    tpu.enqueue_dma source(%dma_start3A_9 : memref<8192xi32, #tpu.memory_space<hbm>>) target(%arg5 : memref<8192xi32, #tpu.memory_space<vmem>>) target_semaphore(%arg11 : memref<!tpu.dma_semaphore, #tpu.memory_space<semaphore_mem>>)
    %dma_start3A_10 = arith.constant 0 : i32
    %dma_start3A_11 = tpu.memref_slice %arg2[%add3A_4, %dma_start3A_10] : memref<64x8192xi32, #tpu.memory_space<hbm>> -> memref<1x8192xi32, #tpu.memory_space<hbm>>
    %dma_start3A_12 = tpu.memref_squeeze %dma_start3A_11 : memref<1x8192xi32, #tpu.memory_space<hbm>> -> memref<8192xi32, #tpu.memory_space<hbm>>
    %dma_start3A_13 = arith.constant 0 : i32
    %dma_start3A_14 = tpu.memref_slice %arg2[%add3A_4, %dma_start3A_13] : memref<64x8192xi32, #tpu.memory_space<hbm>> -> memref<1x8192xi32, #tpu.memory_space<hbm>>
    %dma_start3A_15 = tpu.memref_squeeze %dma_start3A_14 : memref<1x8192xi32, #tpu.memory_space<hbm>> -> memref<8192xi32, #tpu.memory_space<hbm>>
    tpu.enqueue_dma source(%dma_start3A_15 : memref<8192xi32, #tpu.memory_space<hbm>>) target(%arg6 : memref<8192xi32, #tpu.memory_space<vmem>>) target_semaphore(%arg12 : memref<!tpu.dma_semaphore, #tpu.memory_space<semaphore_mem>>)
    "tpu.region"() ({
      %run_scoped3A = tpu.sem_alloc : memref<!tpu.dma_semaphore, #tpu.memory_space<semaphore_mem>>
      tpu.enqueue_dma source(%arg3 : memref<16xi32, #tpu.memory_space<hbm>>) target(%arg10 : memref<16xi32, #tpu.memory_space<vmem>>) target_semaphore(%run_scoped3A : memref<!tpu.dma_semaphore, #tpu.memory_space<semaphore_mem>>)
      tpu.wait_dma2 semaphore(%run_scoped3A : memref<!tpu.dma_semaphore, #tpu.memory_space<semaphore_mem>>) src(%arg3 : memref<16xi32, #tpu.memory_space<hbm>>) dst(%arg10 : memref<16xi32, #tpu.memory_space<vmem>>)
      tpu.yield
    }) : () -> ()
    %get3A = arith.constant 0 : index
    %get3A_16 = tpu.vector_load %arg10[%get3A] {strides = array<i32>} : memref<16xi32, #tpu.memory_space<vmem>>, vector<16xi32>,
    %iota3A = tpu.iota {dimensions = array<i32: 0>} : vector<16xi32>
    %broadcast_in_dim3A = arith.constant 0 : i32
    %broadcast_in_dim3A_17 = vector.broadcast %broadcast_in_dim3A : i32 to vector<16xi32>
    %broadcast_in_dim3A_18 = arith.constant 1 : i32
    %broadcast_in_dim3A_19 = vector.broadcast %broadcast_in_dim3A_18 : i32 to vector<16xi32>
    %dma_wait3A = arith.constant 0 : i32
    %dma_wait3A_20 = tpu.memref_slice %arg2[%mul3A_2, %dma_wait3A] : memref<64x8192xi32, #tpu.memory_space<hbm>> -> memref<1x8192xi32, #tpu.memory_space<hbm>>
    %dma_wait3A_21 = tpu.memref_squeeze %dma_wait3A_20 : memref<1x8192xi32, #tpu.memory_space<hbm>> -> memref<8192xi32, #tpu.memory_space<hbm>>
    %dma_wait3A_22 = arith.constant 0 : i32
    %dma_wait3A_23 = tpu.memref_slice %arg2[%mul3A_2, %dma_wait3A_22] : memref<64x8192xi32, #tpu.memory_space<hbm>> -> memref<1x8192xi32, #tpu.memory_space<hbm>>
    %dma_wait3A_24 = tpu.memref_squeeze %dma_wait3A_23 : memref<1x8192xi32, #tpu.memory_space<hbm>> -> memref<8192xi32, #tpu.memory_space<hbm>>
    tpu.wait_dma2 semaphore(%arg11 : memref<!tpu.dma_semaphore, #tpu.memory_space<semaphore_mem>>) src(%dma_wait3A_24 : memref<8192xi32, #tpu.memory_space<hbm>>) dst(%arg5 : memref<8192xi32, #tpu.memory_space<vmem>>)
    %get3A_25 = arith.constant 0 : index
    %get3A_26 = tpu.vector_load %arg5[%get3A_25] {strides = array<i32>} : memref<8192xi32, #tpu.memory_space<vmem>>, vector<16xi32>,
    %eq3A = arith.constant 0 : i32
    %eq3A_27 = vector.broadcast %eq3A : i32 to vector<16xi32>
    %eq3A_28 = arith.cmpi eq, %iota3A, %eq3A_27 : vector<16xi32>
    %jit3A = arith.constant 0 : i32
    %broadcast_in_dim3A_29 = vector.broadcast %jit3A : i32 to vector<16xi32>
    %select_n3A = arith.select %eq3A_28, %broadcast_in_dim3A_29, %get3A_26 : vector<16xi1>, vector<16xi32>
    %swap3A = arith.constant 0 : index
    %swap3A_30 = tpu.vector_load %arg5[%swap3A] {strides = array<i32>} : memref<8192xi32, #tpu.memory_space<vmem>>, vector<16xi32>,
    tpu.vector_store %arg5[%swap3A], %select_n3A {strides = array<i32>} : memref<8192xi32, #tpu.memory_space<vmem>>, vector<16xi32>,
    %get3A_31 = arith.constant 8176 : index
    %get3A_32 = tpu.vector_load %arg5[%get3A_31] {strides = array<i32>} : memref<8192xi32, #tpu.memory_space<vmem>>, vector<16xi32>,
    %eq3A_33 = arith.constant 15 : i32
    %eq3A_34 = vector.broadcast %eq3A_33 : i32 to vector<16xi32>
    %eq3A_35 = arith.cmpi eq, %iota3A, %eq3A_34 : vector<16xi32>
    %jit3A_36 = arith.constant 0 : i32
    %broadcast_in_dim3A_37 = vector.broadcast %jit3A_36 : i32 to vector<16xi32>
    %select_n3A_38 = arith.select %eq3A_35, %broadcast_in_dim3A_37, %get3A_32 : vector<16xi1>, vector<16xi32>
    %swap3A_39 = arith.constant 8176 : index
    %swap3A_40 = tpu.vector_load %arg5[%swap3A_39] {strides = array<i32>} : memref<8192xi32, #tpu.memory_space<vmem>>, vector<16xi32>,
    tpu.vector_store %arg5[%swap3A_39], %select_n3A_38 {strides = array<i32>} : memref<8192xi32, #tpu.memory_space<vmem>>, vector<16xi32>,
    %parallel_loop3A = arith.constant 0 : i32
    %parallel_loop3A_41 = arith.constant 512 : i32
    %parallel_loop3A_42 = arith.constant 1 : i32
    %parallel_loop3A_43 = scf.for %parallel_loop3A_135 = %parallel_loop3A to %parallel_loop3A_41 step %parallel_loop3A_42 iter_args(%parallel_loop3A_136 = %broadcast_in_dim3A_17) -> (vector<16xi32>)  : i32 {
      %parallel_loop3A_137 = arith.constant 16 : i32
      %parallel_loop3A_138 = arith.muli %parallel_loop3A_135, %parallel_loop3A_137 : i32
      %parallel_loop3A_139 = arith.index_cast %parallel_loop3A_138 : i32 to index
      %parallel_loop3A_140 = tpu.vector_load %arg5[%parallel_loop3A_139] {strides = array<i32>} : memref<8192xi32, #tpu.memory_space<vmem>>, vector<16xi32>,
      %parallel_loop3A_141 = arith.minsi %parallel_loop3A_140, %broadcast_in_dim3A_19 : vector<16xi32>
      %parallel_loop3A_142 = arith.constant true
      %parallel_loop3A_143 = vector.broadcast %parallel_loop3A_142 : i1 to vector<16xi1>
      %parallel_loop3A_144 = tpu.scan <sum>, %parallel_loop3A_141 masked %parallel_loop3A_143 : vector<16xi32>, vector<16xi1> -> vector<16xi32>
      %parallel_loop3A_145 = vector.extract_strided_slice %parallel_loop3A_144 {offsets = [15], sizes = [1], strides = [1]} : vector<16xi32> to vector<1xi32>
      %parallel_loop3A_146 = vector.extract %parallel_loop3A_145[0] : i32 from vector<1xi32>
      %parallel_loop3A_147 = arith.index_cast %parallel_loop3A_135 : i32 to index
      %parallel_loop3A_148 = memref.load %arg9[%parallel_loop3A_147] : memref<512xi32, #tpu.memory_space<smem>>
      memref.store %parallel_loop3A_146, %arg9[%parallel_loop3A_147] : memref<512xi32, #tpu.memory_space<smem>>
      %parallel_loop3A_149 = arith.addi %parallel_loop3A_136, %parallel_loop3A_141 : vector<16xi32>
      scf.yield %parallel_loop3A_149 : vector<16xi32>
    } {sc.loop_unroll_factor = 8 : i64, sc.parallel_access}
    %reduce_sum3A = arith.constant true
    %reduce_sum3A_44 = vector.broadcast %reduce_sum3A : i1 to vector<16xi1>
    %reduce_sum3A_45 = tpu.scan <sum>, %parallel_loop3A_43 masked %reduce_sum3A_44 : vector<16xi32>, vector<16xi1> -> vector<16xi32>
    %reduce_sum3A_46 = vector.extract %reduce_sum3A_45[15] : i32 from vector<16xi32>
    %add3A_47 = vector.broadcast %reduce_sum3A_46 : i32 to vector<16xi32>
    %add3A_48 = arith.addi %iota3A, %add3A_47 : vector<16xi32>
    %parallel_loop3A_49 = arith.constant 0 : i32
    %parallel_loop3A_50 = arith.constant 512 : i32
    %parallel_loop3A_51 = arith.constant 1 : i32
    %parallel_loop3A_52 = arith.constant 0 : i32
    %parallel_loop3A_53:2 = scf.for %parallel_loop3A_135 = %parallel_loop3A_49 to %parallel_loop3A_50 step %parallel_loop3A_51 iter_args(%parallel_loop3A_136 = %parallel_loop3A_52, %parallel_loop3A_137 = %add3A_48) -> (i32, vector<16xi32>)  : i32 {
      %parallel_loop3A_138 = arith.constant 16 : i32
      %parallel_loop3A_139 = arith.muli %parallel_loop3A_135, %parallel_loop3A_138 : i32
      %parallel_loop3A_140 = arith.index_cast %parallel_loop3A_139 : i32 to index
      %parallel_loop3A_141 = tpu.vector_load %arg5[%parallel_loop3A_140] {strides = array<i32>} : memref<8192xi32, #tpu.memory_space<vmem>>, vector<16xi32>,
      %parallel_loop3A_142 = arith.minsi %parallel_loop3A_141, %broadcast_in_dim3A_19 : vector<16xi32>
      %parallel_loop3A_143 = arith.constant true
      %parallel_loop3A_144 = vector.broadcast %parallel_loop3A_143 : i1 to vector<16xi1>
      %parallel_loop3A_145 = tpu.scan <sum>, %parallel_loop3A_142 masked %parallel_loop3A_144 : vector<16xi32>, vector<16xi1> -> vector<16xi32>
      %parallel_loop3A_146 = vector.broadcast %parallel_loop3A_136 : i32 to vector<16xi32>
      %parallel_loop3A_147 = arith.addi %parallel_loop3A_145, %parallel_loop3A_146 : vector<16xi32>
      %parallel_loop3A_148 = arith.constant 0 : i32
      %parallel_loop3A_149 = vector.broadcast %parallel_loop3A_148 : i32 to vector<16xi32>
      %parallel_loop3A_150 = arith.cmpi sgt, %parallel_loop3A_142, %parallel_loop3A_149 : vector<16xi32>
      %parallel_loop3A_151 = arith.subi %parallel_loop3A_137, %parallel_loop3A_147 : vector<16xi32>
      %parallel_loop3A_152 = arith.select %parallel_loop3A_150, %parallel_loop3A_147, %parallel_loop3A_151 : vector<16xi1>, vector<16xi32>
      %parallel_loop3A_153 = arith.cmpi slt, %parallel_loop3A_152, %get3A_16 : vector<16xi32>
      %parallel_loop3A_154 = arith.select %parallel_loop3A_153, %broadcast_in_dim3A_19, %broadcast_in_dim3A_17 : vector<16xi1>, vector<16xi32>
      %parallel_loop3A_155 = arith.constant 16 : i32
      %parallel_loop3A_156 = arith.muli %parallel_loop3A_135, %parallel_loop3A_155 : i32
      %parallel_loop3A_157 = arith.index_cast %parallel_loop3A_156 : i32 to index
      %parallel_loop3A_158 = tpu.vector_load %arg7[%parallel_loop3A_157] {strides = array<i32>} : memref<8192xi32, #tpu.memory_space<vmem>>, vector<16xi32>,
      tpu.vector_store %arg7[%parallel_loop3A_157], %parallel_loop3A_154 {strides = array<i32>} : memref<8192xi32, #tpu.memory_space<vmem>>, vector<16xi32>,
      %parallel_loop3A_159 = arith.index_cast %parallel_loop3A_135 : i32 to index
      %parallel_loop3A_160 = memref.load %arg9[%parallel_loop3A_159] : memref<512xi32, #tpu.memory_space<smem>>
      %parallel_loop3A_161 = arith.addi %parallel_loop3A_136, %parallel_loop3A_160 : i32
      %parallel_loop3A_162 = arith.constant 16 : i32
      %parallel_loop3A_163 = vector.broadcast %parallel_loop3A_162 : i32 to vector<16xi32>
      %parallel_loop3A_164 = arith.addi %parallel_loop3A_137, %parallel_loop3A_163 : vector<16xi32>
      scf.yield %parallel_loop3A_161, %parallel_loop3A_164 : i32, vector<16xi32>
    } {sc.loop_unroll_factor = 8 : i64, sc.parallel_access}
    %get3A_54 = arith.constant 0 : index
    %get3A_55 = tpu.vector_load %arg7[%get3A_54] {strides = array<i32>} : memref<8192xi32, #tpu.memory_space<vmem>>, vector<16xi32>,
    %eq3A_56 = arith.constant 0 : i32
    %eq3A_57 = vector.broadcast %eq3A_56 : i32 to vector<16xi32>
    %eq3A_58 = arith.cmpi eq, %iota3A, %eq3A_57 : vector<16xi32>
    %select_n3A_59 = arith.select %eq3A_58, %broadcast_in_dim3A_19, %get3A_55 : vector<16xi1>, vector<16xi32>
    %swap3A_60 = arith.constant 0 : index
    %swap3A_61 = tpu.vector_load %arg7[%swap3A_60] {strides = array<i32>} : memref<8192xi32, #tpu.memory_space<vmem>>, vector<16xi32>,
    tpu.vector_store %arg7[%swap3A_60], %select_n3A_59 {strides = array<i32>} : memref<8192xi32, #tpu.memory_space<vmem>>, vector<16xi32>,
    %dma_start3A_62 = arith.constant 0 : i32
    %dma_start3A_63 = tpu.memref_slice %arg4[%mul3A_2, %dma_start3A_62] : memref<64x8192xi32, #tpu.memory_space<hbm>> -> memref<1x8192xi32, #tpu.memory_space<hbm>>
    %dma_start3A_64 = tpu.memref_squeeze %dma_start3A_63 : memref<1x8192xi32, #tpu.memory_space<hbm>> -> memref<8192xi32, #tpu.memory_space<hbm>>
    %dma_start3A_65 = arith.constant 0 : i32
    %dma_start3A_66 = tpu.memref_slice %arg4[%mul3A_2, %dma_start3A_65] : memref<64x8192xi32, #tpu.memory_space<hbm>> -> memref<1x8192xi32, #tpu.memory_space<hbm>>
    %dma_start3A_67 = tpu.memref_squeeze %dma_start3A_66 : memref<1x8192xi32, #tpu.memory_space<hbm>> -> memref<8192xi32, #tpu.memory_space<hbm>>
    tpu.enqueue_dma source(%arg7 : memref<8192xi32, #tpu.memory_space<vmem>>) target(%dma_start3A_67 : memref<8192xi32, #tpu.memory_space<hbm>>) target_semaphore(%arg13 : memref<!tpu.dma_semaphore, #tpu.memory_space<semaphore_mem>>)
    %dma_wait3A_68 = arith.constant 0 : i32
    %dma_wait3A_69 = tpu.memref_slice %arg2[%add3A_4, %dma_wait3A_68] : memref<64x8192xi32, #tpu.memory_space<hbm>> -> memref<1x8192xi32, #tpu.memory_space<hbm>>
    %dma_wait3A_70 = tpu.memref_squeeze %dma_wait3A_69 : memref<1x8192xi32, #tpu.memory_space<hbm>> -> memref<8192xi32, #tpu.memory_space<hbm>>
    %dma_wait3A_71 = arith.constant 0 : i32
    %dma_wait3A_72 = tpu.memref_slice %arg2[%add3A_4, %dma_wait3A_71] : memref<64x8192xi32, #tpu.memory_space<hbm>> -> memref<1x8192xi32, #tpu.memory_space<hbm>>
    %dma_wait3A_73 = tpu.memref_squeeze %dma_wait3A_72 : memref<1x8192xi32, #tpu.memory_space<hbm>> -> memref<8192xi32, #tpu.memory_space<hbm>>
    tpu.wait_dma2 semaphore(%arg12 : memref<!tpu.dma_semaphore, #tpu.memory_space<semaphore_mem>>) src(%dma_wait3A_73 : memref<8192xi32, #tpu.memory_space<hbm>>) dst(%arg6 : memref<8192xi32, #tpu.memory_space<vmem>>)
    %get3A_74 = arith.constant 0 : index
    %get3A_75 = tpu.vector_load %arg6[%get3A_74] {strides = array<i32>} : memref<8192xi32, #tpu.memory_space<vmem>>, vector<16xi32>,
    %eq3A_76 = arith.constant 0 : i32
    %eq3A_77 = vector.broadcast %eq3A_76 : i32 to vector<16xi32>
    %eq3A_78 = arith.cmpi eq, %iota3A, %eq3A_77 : vector<16xi32>
    %jit3A_79 = arith.constant 0 : i32
    %broadcast_in_dim3A_80 = vector.broadcast %jit3A_79 : i32 to vector<16xi32>
    %select_n3A_81 = arith.select %eq3A_78, %broadcast_in_dim3A_80, %get3A_75 : vector<16xi1>, vector<16xi32>
    %swap3A_82 = arith.constant 0 : index
    %swap3A_83 = tpu.vector_load %arg6[%swap3A_82] {strides = array<i32>} : memref<8192xi32, #tpu.memory_space<vmem>>, vector<16xi32>,
    tpu.vector_store %arg6[%swap3A_82], %select_n3A_81 {strides = array<i32>} : memref<8192xi32, #tpu.memory_space<vmem>>, vector<16xi32>,
    %get3A_84 = arith.constant 8176 : index
    %get3A_85 = tpu.vector_load %arg6[%get3A_84] {strides = array<i32>} : memref<8192xi32, #tpu.memory_space<vmem>>, vector<16xi32>,
    %eq3A_86 = arith.constant 15 : i32
    %eq3A_87 = vector.broadcast %eq3A_86 : i32 to vector<16xi32>
    %eq3A_88 = arith.cmpi eq, %iota3A, %eq3A_87 : vector<16xi32>
    %jit3A_89 = arith.constant 0 : i32
    %broadcast_in_dim3A_90 = vector.broadcast %jit3A_89 : i32 to vector<16xi32>
    %select_n3A_91 = arith.select %eq3A_88, %broadcast_in_dim3A_90, %get3A_85 : vector<16xi1>, vector<16xi32>
    %swap3A_92 = arith.constant 8176 : index
    %swap3A_93 = tpu.vector_load %arg6[%swap3A_92] {strides = array<i32>} : memref<8192xi32, #tpu.memory_space<vmem>>, vector<16xi32>,
    tpu.vector_store %arg6[%swap3A_92], %select_n3A_91 {strides = array<i32>} : memref<8192xi32, #tpu.memory_space<vmem>>, vector<16xi32>,
    %parallel_loop3A_94 = arith.constant 0 : i32
    %parallel_loop3A_95 = arith.constant 512 : i32
    %parallel_loop3A_96 = arith.constant 1 : i32
    %parallel_loop3A_97 = scf.for %parallel_loop3A_135 = %parallel_loop3A_94 to %parallel_loop3A_95 step %parallel_loop3A_96 iter_args(%parallel_loop3A_136 = %broadcast_in_dim3A_17) -> (vector<16xi32>)  : i32 {
      %parallel_loop3A_137 = arith.constant 16 : i32
      %parallel_loop3A_138 = arith.muli %parallel_loop3A_135, %parallel_loop3A_137 : i32
      %parallel_loop3A_139 = arith.index_cast %parallel_loop3A_138 : i32 to index
      %parallel_loop3A_140 = tpu.vector_load %arg6[%parallel_loop3A_139] {strides = array<i32>} : memref<8192xi32, #tpu.memory_space<vmem>>, vector<16xi32>,
      %parallel_loop3A_141 = arith.minsi %parallel_loop3A_140, %broadcast_in_dim3A_19 : vector<16xi32>
      %parallel_loop3A_142 = arith.constant true
      %parallel_loop3A_143 = vector.broadcast %parallel_loop3A_142 : i1 to vector<16xi1>
      %parallel_loop3A_144 = tpu.scan <sum>, %parallel_loop3A_141 masked %parallel_loop3A_143 : vector<16xi32>, vector<16xi1> -> vector<16xi32>
      %parallel_loop3A_145 = vector.extract_strided_slice %parallel_loop3A_144 {offsets = [15], sizes = [1], strides = [1]} : vector<16xi32> to vector<1xi32>
      %parallel_loop3A_146 = vector.extract %parallel_loop3A_145[0] : i32 from vector<1xi32>
      %parallel_loop3A_147 = arith.index_cast %parallel_loop3A_135 : i32 to index
      %parallel_loop3A_148 = memref.load %arg9[%parallel_loop3A_147] : memref<512xi32, #tpu.memory_space<smem>>
      memref.store %parallel_loop3A_146, %arg9[%parallel_loop3A_147] : memref<512xi32, #tpu.memory_space<smem>>
      %parallel_loop3A_149 = arith.addi %parallel_loop3A_136, %parallel_loop3A_141 : vector<16xi32>
      scf.yield %parallel_loop3A_149 : vector<16xi32>
    } {sc.loop_unroll_factor = 8 : i64, sc.parallel_access}
    %reduce_sum3A_98 = arith.constant true
    %reduce_sum3A_99 = vector.broadcast %reduce_sum3A_98 : i1 to vector<16xi1>
    %reduce_sum3A_100 = tpu.scan <sum>, %parallel_loop3A_97 masked %reduce_sum3A_99 : vector<16xi32>, vector<16xi1> -> vector<16xi32>
    %reduce_sum3A_101 = vector.extract %reduce_sum3A_100[15] : i32 from vector<16xi32>
    %add3A_102 = vector.broadcast %reduce_sum3A_101 : i32 to vector<16xi32>
    %add3A_103 = arith.addi %iota3A, %add3A_102 : vector<16xi32>
    %parallel_loop3A_104 = arith.constant 0 : i32
    %parallel_loop3A_105 = arith.constant 512 : i32
    %parallel_loop3A_106 = arith.constant 1 : i32
    %parallel_loop3A_107 = arith.constant 0 : i32
    %parallel_loop3A_108:2 = scf.for %parallel_loop3A_135 = %parallel_loop3A_104 to %parallel_loop3A_105 step %parallel_loop3A_106 iter_args(%parallel_loop3A_136 = %parallel_loop3A_107, %parallel_loop3A_137 = %add3A_103) -> (i32, vector<16xi32>)  : i32 {
      %parallel_loop3A_138 = arith.constant 16 : i32
      %parallel_loop3A_139 = arith.muli %parallel_loop3A_135, %parallel_loop3A_138 : i32
      %parallel_loop3A_140 = arith.index_cast %parallel_loop3A_139 : i32 to index
      %parallel_loop3A_141 = tpu.vector_load %arg6[%parallel_loop3A_140] {strides = array<i32>} : memref<8192xi32, #tpu.memory_space<vmem>>, vector<16xi32>,
      %parallel_loop3A_142 = arith.minsi %parallel_loop3A_141, %broadcast_in_dim3A_19 : vector<16xi32>
      %parallel_loop3A_143 = arith.constant true
      %parallel_loop3A_144 = vector.broadcast %parallel_loop3A_143 : i1 to vector<16xi1>
      %parallel_loop3A_145 = tpu.scan <sum>, %parallel_loop3A_142 masked %parallel_loop3A_144 : vector<16xi32>, vector<16xi1> -> vector<16xi32>
      %parallel_loop3A_146 = vector.broadcast %parallel_loop3A_136 : i32 to vector<16xi32>
      %parallel_loop3A_147 = arith.addi %parallel_loop3A_145, %parallel_loop3A_146 : vector<16xi32>
      %parallel_loop3A_148 = arith.constant 0 : i32
      %parallel_loop3A_149 = vector.broadcast %parallel_loop3A_148 : i32 to vector<16xi32>
      %parallel_loop3A_150 = arith.cmpi sgt, %parallel_loop3A_142, %parallel_loop3A_149 : vector<16xi32>
      %parallel_loop3A_151 = arith.subi %parallel_loop3A_137, %parallel_loop3A_147 : vector<16xi32>
      %parallel_loop3A_152 = arith.select %parallel_loop3A_150, %parallel_loop3A_147, %parallel_loop3A_151 : vector<16xi1>, vector<16xi32>
      %parallel_loop3A_153 = arith.cmpi slt, %parallel_loop3A_152, %get3A_16 : vector<16xi32>
      %parallel_loop3A_154 = arith.select %parallel_loop3A_153, %broadcast_in_dim3A_19, %broadcast_in_dim3A_17 : vector<16xi1>, vector<16xi32>
      %parallel_loop3A_155 = arith.constant 16 : i32
      %parallel_loop3A_156 = arith.muli %parallel_loop3A_135, %parallel_loop3A_155 : i32
      %parallel_loop3A_157 = arith.index_cast %parallel_loop3A_156 : i32 to index
      %parallel_loop3A_158 = tpu.vector_load %arg8[%parallel_loop3A_157] {strides = array<i32>} : memref<8192xi32, #tpu.memory_space<vmem>>, vector<16xi32>,
      tpu.vector_store %arg8[%parallel_loop3A_157], %parallel_loop3A_154 {strides = array<i32>} : memref<8192xi32, #tpu.memory_space<vmem>>, vector<16xi32>,
      %parallel_loop3A_159 = arith.index_cast %parallel_loop3A_135 : i32 to index
      %parallel_loop3A_160 = memref.load %arg9[%parallel_loop3A_159] : memref<512xi32, #tpu.memory_space<smem>>
      %parallel_loop3A_161 = arith.addi %parallel_loop3A_136, %parallel_loop3A_160 : i32
      %parallel_loop3A_162 = arith.constant 16 : i32
      %parallel_loop3A_163 = vector.broadcast %parallel_loop3A_162 : i32 to vector<16xi32>
      %parallel_loop3A_164 = arith.addi %parallel_loop3A_137, %parallel_loop3A_163 : vector<16xi32>
      scf.yield %parallel_loop3A_161, %parallel_loop3A_164 : i32, vector<16xi32>
    } {sc.loop_unroll_factor = 8 : i64, sc.parallel_access}
    %get3A_109 = arith.constant 0 : index
    %get3A_110 = tpu.vector_load %arg8[%get3A_109] {strides = array<i32>} : memref<8192xi32, #tpu.memory_space<vmem>>, vector<16xi32>,
    %eq3A_111 = arith.constant 0 : i32
    %eq3A_112 = vector.broadcast %eq3A_111 : i32 to vector<16xi32>
    %eq3A_113 = arith.cmpi eq, %iota3A, %eq3A_112 : vector<16xi32>
    %select_n3A_114 = arith.select %eq3A_113, %broadcast_in_dim3A_19, %get3A_110 : vector<16xi1>, vector<16xi32>
    %swap3A_115 = arith.constant 0 : index
    %swap3A_116 = tpu.vector_load %arg8[%swap3A_115] {strides = array<i32>} : memref<8192xi32, #tpu.memory_space<vmem>>, vector<16xi32>,
    tpu.vector_store %arg8[%swap3A_115], %select_n3A_114 {strides = array<i32>} : memref<8192xi32, #tpu.memory_space<vmem>>, vector<16xi32>,
    %dma_start3A_117 = arith.constant 0 : i32
    %dma_start3A_118 = tpu.memref_slice %arg4[%add3A_4, %dma_start3A_117] : memref<64x8192xi32, #tpu.memory_space<hbm>> -> memref<1x8192xi32, #tpu.memory_space<hbm>>
    %dma_start3A_119 = tpu.memref_squeeze %dma_start3A_118 : memref<1x8192xi32, #tpu.memory_space<hbm>> -> memref<8192xi32, #tpu.memory_space<hbm>>
    %dma_start3A_120 = arith.constant 0 : i32
    %dma_start3A_121 = tpu.memref_slice %arg4[%add3A_4, %dma_start3A_120] : memref<64x8192xi32, #tpu.memory_space<hbm>> -> memref<1x8192xi32, #tpu.memory_space<hbm>>
    %dma_start3A_122 = tpu.memref_squeeze %dma_start3A_121 : memref<1x8192xi32, #tpu.memory_space<hbm>> -> memref<8192xi32, #tpu.memory_space<hbm>>
    tpu.enqueue_dma source(%arg8 : memref<8192xi32, #tpu.memory_space<vmem>>) target(%dma_start3A_122 : memref<8192xi32, #tpu.memory_space<hbm>>) target_semaphore(%arg14 : memref<!tpu.dma_semaphore, #tpu.memory_space<semaphore_mem>>)
    %dma_wait3A_123 = arith.constant 0 : i32
    %dma_wait3A_124 = tpu.memref_slice %arg4[%mul3A_2, %dma_wait3A_123] : memref<64x8192xi32, #tpu.memory_space<hbm>> -> memref<1x8192xi32, #tpu.memory_space<hbm>>
    %dma_wait3A_125 = tpu.memref_squeeze %dma_wait3A_124 : memref<1x8192xi32, #tpu.memory_space<hbm>> -> memref<8192xi32, #tpu.memory_space<hbm>>
    %dma_wait3A_126 = arith.constant 0 : i32
    %dma_wait3A_127 = tpu.memref_slice %arg4[%mul3A_2, %dma_wait3A_126] : memref<64x8192xi32, #tpu.memory_space<hbm>> -> memref<1x8192xi32, #tpu.memory_space<hbm>>
    %dma_wait3A_128 = tpu.memref_squeeze %dma_wait3A_127 : memref<1x8192xi32, #tpu.memory_space<hbm>> -> memref<8192xi32, #tpu.memory_space<hbm>>
    tpu.wait_dma2 semaphore(%arg13 : memref<!tpu.dma_semaphore, #tpu.memory_space<semaphore_mem>>) src(%arg7 : memref<8192xi32, #tpu.memory_space<vmem>>) dst(%dma_wait3A_128 : memref<8192xi32, #tpu.memory_space<hbm>>)
    %dma_wait3A_129 = arith.constant 0 : i32
    %dma_wait3A_130 = tpu.memref_slice %arg4[%add3A_4, %dma_wait3A_129] : memref<64x8192xi32, #tpu.memory_space<hbm>> -> memref<1x8192xi32, #tpu.memory_space<hbm>>
    %dma_wait3A_131 = tpu.memref_squeeze %dma_wait3A_130 : memref<1x8192xi32, #tpu.memory_space<hbm>> -> memref<8192xi32, #tpu.memory_space<hbm>>
    %dma_wait3A_132 = arith.constant 0 : i32
    %dma_wait3A_133 = tpu.memref_slice %arg4[%add3A_4, %dma_wait3A_132] : memref<64x8192xi32, #tpu.memory_space<hbm>> -> memref<1x8192xi32, #tpu.memory_space<hbm>>
    %dma_wait3A_134 = tpu.memref_squeeze %dma_wait3A_133 : memref<1x8192xi32, #tpu.memory_space<hbm>> -> memref<8192xi32, #tpu.memory_space<hbm>>
    tpu.wait_dma2 semaphore(%arg14 : memref<!tpu.dma_semaphore, #tpu.memory_space<semaphore_mem>>) src(%arg8 : memref<8192xi32, #tpu.memory_space<vmem>>) dst(%dma_wait3A_134 : memref<8192xi32, #tpu.memory_space<hbm>>)
    return
  }
}

</mosaic_0001>

<sc_bundles>
// kernel: kernel.3.cloned.1.call-start
scs
__scs_entry_jumppad:
0x0: {  	(pc) =	sbr.rel $0x88, $3  }
0x1: {  	(tag) =	ssettag $0x0;
	lr =	simm.s32 $0x1  }
0x2: {  	[smem:$0x3F9F] =	sst lr;
	_ =	strace $0xD0000000  }
0x3: {  	_ = 	snop  }
0x4: {  	_ = 	snop  }
0x5: {  	_ = 	snop  }
0x6: {  	_ = 	snop  }
0x7: {  	_ = 	snop  }
__scs_overlays_trampoline_lowered:
0x8: {  	[smem:$0x3FAE] =	sst s0  }
0x9: {  	[smem:$0x3FAF] =	sst s1  }
0xa: {  	[smem:$0x3FB0] =	sst s2  }
0xb: {  	[smem:$0x3FB1] =	sst s3  }
0xc: {  	[smem:$0x3FB2] =	sst s4  }
0xd: {  	[smem:$0x3FB3] =	sst s5  }
0xe: {  	[smem:$0x3FB4] =	sst s6  }
0xf: {  	[smem:$0x3FB5] =	sst s7  }
0x10: {  	[smem:$0x3FB6] =	sst s8  }
0x11: {  	[smem:$0x3FB7] =	sst s9;
	s0 =	simm.s32 @!p0 $0x0  }
0x12: {  	s1 =	sld [smem:$0x3F9D];
	s0 =	simm.s32 @p0 $0x1  }
0x13: {  	[smem:$0x3FB8] =	sst s0;
	s0 =	simm.s32 @!p1 $0x0  }
0x14: {  	s2 =	sld [smem:$0x3F9C];
	s0 =	simm.s32 @p1 $0x1  }
0x15: {  	[smem:$0x3FB9] =	sst s0;
	s0 =	simm.s32 @!p2 $0x0  }
0x16: {  	s3 =	sld [smem:$0x3FDB];
	s0 =	simm.s32 @p2 $0x1  }
0x17: {  	s4 =	simm.s32 $0x1BF5;
	[smem:$0x3FBB] =	sst s0  }
0x18: {  	s0 =	sld [smem:$0x3F9E];
	_ =	swait.ge [sflag:s4], $0x0  }
0x19: {  	s7 =	sld [smem:$0x3F9F]  }
0x1a: {  	s8 =	sadd.s32 $0xFFFFE003, lr  }
0x1b: {  	s9 =	sadd.s32 $0xFFFFFEF7, lr;
	s5 =	simm.s32 $0xFFFFFFFF;
	p2 =	slt.u32 s8, $0xFFFFF086  }
0x1c: {  	p1 =	slt.u32 s9, $0xF7A;
	s5 =	simm.s32 @!p2 $0x0  }
0x1d: {  	s5 =	simm.s32 @p1 $0x1;
	p0 =	seq.s32 s7, s2  }
0x1e: {  	s7 =	smul.u32 @!p0 $0xF7A, s2;
	p2 =	seq.s32 @!p0 s5, $0x0  }
0x1f: {  	s9 =	smul.u32 $0xF7A, s1;
	s8 =	simm.s32 @!p0 $0x1BF5;
	p2 =	por !p2, p0  }
0x20: {  	[sflag:s8] =	ssyncset.s32 @!p0 $0xFFFFF086;
	s6 =	sadd.s32 @!p0 s3, s7;
	s7 =	simm.s32 @!p0 $0x108  }
0x21: {  	s3 =	sadd.s32 s3, s9;
	s6 =	sadd.s32 @!p0 $0x88, s6;
	s7 =	simm.s32 @p2 $0x1082  }
0x22: {  	[simem:s7], [sflag:s8] =	dma.local @!p0 [hbm:s6], $0xF7A  }
0x23: {  	s9 =	sor.u32 $0xD0000000, s2;
	s6 =	simm.s32 $0x108;
	_ =	swait.ge @!p0 [sflag:s8], $0x0  }
0x24: {  	s3 =	sadd.s32 $0x88, s3;
	s6 =	simm.s32 @!p1 $0x1082;
	[sflag:s4] =	ssyncset.s32 $0xFFFFF086  }
0x25: {  	[simem:s6], [sflag:s4] =	dma.local [hbm:s3], $0xF7A  }
0x26: {  	[smem:$0x3F9F] =	sst s1;
	(tag) =	ssettag s2;
	_ =	strace s9  }
0x27: {  	s1 =	sld [smem:$0x3FAF]  }
0x28: {  	s2 =	sld [smem:$0x3FB0]  }
0x29: {  	s4 =	sld [smem:$0x3FB2]  }
0x2a: {  	p0 =	seq.s32 s5, $0x0;
	s5 =	sld [smem:$0x3FB3]  }
0x2b: {  	s6 =	sld [smem:$0x3FB4]  }
0x2c: {  	s7 =	sld [smem:$0x3FB5]  }
0x2d: {  	s3 =	simm.s32 $0x108;
	s8 =	sld [smem:$0x3FB6]  }
0x2e: {  	s3 =	simm.s32 @!p0 $0x1082;
	s9 =	sld [smem:$0x3FB7]  }
0x2f: {  	lr =	sadd.s32 s0, s3;
	s0 =	sld [smem:$0x3FAE]  }
0x30: {  	s3 =	sld [smem:$0x3FB1]  }
0x31: {  	[smem:$0x3FBA] =	sst s10  }
0x32: {  	s10 =	sld [smem:$0x3FB8];
	_ =	sdelay $0x3  }
0x33: {  	p0 =	seq.s32 s10, $0x1;
	s10 =	sld [smem:$0x3FBA];
	_ =	sdelay $0x3  }
0x34: {  	[smem:$0x3FBA] =	sst s10  }
0x35: {  	s10 =	sld [smem:$0x3FB9];
	_ =	sdelay $0x3  }
0x36: {  	p1 =	seq.s32 s10, $0x1;
	s10 =	sld [smem:$0x3FBA];
	_ =	sdelay $0x3  }
0x37: {  	[smem:$0x3FBA] =	sst s10  }
0x38: {  	s10 =	sld [smem:$0x3FBB]  }
0x39: {  	_ = 	snop;
	(pc) =	sbr.ind lr, $3  }
0x3a: {  	_ = 	snop  }
0x3b: {  	_ = 	snop  }
0x3c: {  	p2 =	seq.s32 s10, $0x1;
	s10 =	sld [smem:$0x3FBA]  }
0x3d: {  	_ =	shalt  }
0x3e: {  	_ =	shalt  }
0x3f: {  	_ =	shalt  }
0x40: {  	_ =	shalt  }
0x41: {  	_ =	shalt  }
0x42: {  	_ =	shalt  }
0x43: {  	_ =	shalt  }
0x44: {  	_ =	shalt  }
0x45: {  	_ =	shalt  }
0x46: {  	_ =	shalt  }
0x47: {  	_ =	shalt  }
0x48: {  	_ =	shalt  }
0x49: {  	_ =	shalt  }
0x4a: {  	_ =	shalt  }
0x4b: {  	_ =	shalt  }
0x4c: {  	_ =	shalt  }
0x4d: {  	_ =	shalt  }
0x4e: {  	_ =	shalt  }
0x4f: {  	_ =	shalt  }
0x50: {  	_ =	shalt  }
0x51: {  	_ =	shalt  }
0x52: {  	_ =	shalt  }
0x53: {  	_ =	shalt  }
0x54: {  	_ =	shalt  }
0x55: {  	_ =	shalt  }
0x56: {  	_ =	shalt  }
0x57: {  	_ =	shalt  }
0x58: {  	_ =	shalt  }
0x59: {  	_ =	shalt  }
0x5a: {  	_ =	shalt  }
0x5b: {  	_ =	shalt  }
0x5c: {  	_ =	shalt  }
0x5d: {  	_ =	shalt  }
0x5e: {  	_ =	shalt  }
0x5f: {  	_ =	shalt  }
0x60: {  	_ =	shalt  }
0x61: {  	_ =	shalt  }
0x62: {  	_ =	shalt  }
0x63: {  	_ =	shalt  }
0x64: {  	_ =	shalt  }
0x65: {  	_ =	shalt  }
0x66: {  	_ =	shalt  }
0x67: {  	_ =	shalt  }
0x68: {  	_ =	shalt  }
0x69: {  	_ =	shalt  }
0x6a: {  	_ =	shalt  }
0x6b: {  	_ =	shalt  }
0x6c: {  	_ =	shalt  }
0x6d: {  	_ =	shalt  }
0x6e: {  	_ =	shalt  }
0x6f: {  	_ =	shalt  }
0x70: {  	_ =	shalt  }
0x71: {  	_ =	shalt  }
0x72: {  	_ =	shalt  }
0x73: {  	_ =	shalt  }
0x74: {  	_ =	shalt  }
0x75: {  	_ =	shalt  }
0x76: {  	_ =	shalt  }
0x77: {  	_ =	shalt  }
0x78: {  	_ =	shalt  }
0x79: {  	_ =	shalt  }
0x7a: {  	_ =	shalt  }
0x7b: {  	_ =	shalt  }
0x7c: {  	_ =	shalt  }
0x7d: {  	_ =	shalt  }
0x7e: {  	_ =	shalt  }
0x7f: {  	_ =	shalt  }
0x80: {  	_ =	shalt  }
0x81: {  	_ =	shalt  }
0x82: {  	_ =	shalt  }
0x83: {  	_ =	shalt  }
0x84: {  	_ =	shalt  }
0x85: {  	_ =	shalt  }
0x86: {  	_ =	shalt  }
0x87: {  	_ =	shalt  }
.Lfunc_end0:
.L_simem_size_0:
called_computation_lowered:
.L_overlay_start_0:
0x88: {  	s2 =	sld [smem:$0x3FD9]  }
0x89: {  	s3 =	sld [smem:$0x3FFE];
	_ =	sdelay $0x1  }
0x8a: {  	s1 =	srdreg.scid  }
0x8b: {  	s0 =	sand.u32 $0x1, s1  }
0x8c: {  	s14 =	sshll.u32 s0, $0xA;
	s2 =	sadd.s32 s3, s2  }
0x8d: {  	s2 =	sadd.s32 s2, s14  }
0x8e: {  	[smem:$0x3FC6] =	sst s2  }
0x8f: {  	_ = 	snop  }
0x90: {  	s2 =	sld [smem:$0x3FD0];
	_ =	sdelay $0x2  }
0x91: {  	s4 =	simm.s32 $0xA;
	s5 =	simm.s32 $0x10;
	s15 =	sld [smem:$0x3FC9]  }
0x92: {  	[smem:s5], [sflag:s4] =	dma.local [hbm:s2], $0x1  }
0x93: {  	_ =	swait.eq [sflag:s4], $0x1  }
0x94: {  	[sflag:s4] =	ssyncset.done $0x0  }
0x95: {  	[sflag:s4] =	ssyncadd.s32 $0xFFFFFFFF  }
0x96: {  	s16 =	sld [smem:$0x11];
	(tm) =	ssettm $0x1  }
0x97: {  	s17 =	sld [smem:$0x3FFB];
	_ =	sdelay $0x3  }
0x98: {  	_ =	strace s17  }
0x99: {  	s4 =	sld [smem:$0x3FFC];
	_ =	sdelay $0x3  }
0x9a: {  	_ =	strace s4  }
0x9b: {  	s4 =	sld [smem:$0x3FFD];
	_ =	sdelay $0x3  }
0x9c: {  	_ =	strace s4  }
0x9d: {  	_ =	strace $0x8FFFFFFF  }
0x9e: {  	s18 =	sld [smem:$0x3FDB];
	_ =	sdelay $0x1  }
0x9f: {  	s19 =	simm.s32 $_scs_section_size  }
0xa0: {  	s6 =	simm.s32 $_size__tile_overlayer_lowered;
	s7 =	simm.s32 $_tile_overlayer_lowered  }
0xa1: {  	s22 =	simm.s32 $0x1BFF;
	s21 =	sshll.u32 s7, $0x1;
	s4 =	sadd.s32 s19, s18  }
0xa2: {  	s8 =	simm.s32 $0x0;
	s20 =	sshll.u32 s6, $0x1;
	s6 =	sadd.s32 s21, s4  }
0xa3: {  	[timem:s8], [sflag:s22] =	dma.local [hbm:s6], s20  }
0xa4: {  	_ =	swait.ge [sflag:s22], s20  }
0xa5: {  	s5 =	ssub.s32 $0x0, s20;
	[sflag:s22] =	ssyncset.done $0x0  }
0xa6: {  	[sflag:s22] =	ssyncadd.s32 s5;
	_ =	sdelay $0x1  }
0xa7: {  	s23 =	simm.s32 $0x1B8B  }
0xa8: {  	_ =	swait.ge [sflag:s23], $0x1  }
0xa9: {  	[sflag:s23] =	ssyncset.done $0x0  }
0xaa: {  	s25 =	simm.s32 $0x1B8E;
	s24 =	sld [smem:$0x3FFE];
	[sflag:s23] =	ssyncadd.s32 $0xFFFFFFFF  }
0xab: {  	s26 =	simm.s32 $execute0_lowered;
	[smem:$0x3FD2] =	sst s25  }
0xac: {  	s6 =	sshll.u32 s26, $0x1;
	_ =	strace $0x80000046;
	[dreg:$0x1] =	wrdreg $0xFFFFFFFF  }
0xad: {  	s28 =	simm.s32 $_size_execute0_lowered;
	s4 =	sadd.s32 s4, s6;
	[dreg:$0x0] =	wrdreg $0x0  }
0xae: {  	s6 =	sshll.u32 s28, $0x1;
	[dreg:$0x2] =	wrdreg s4  }
0xaf: {  	[dreg:$0x3] =	wrdreg s6  }
0xb0: {  	[dreg:$0x4] =	wrdreg $0xC0  }
0xb1: {  	_ =	task [dreg:s8], $0x5FFFF  }
0xb2: {  	[dreg:$0x1] =	wrdreg $0xFFFFFFFF  }
0xb3: {  	[dreg:$0x0] =	wrdreg $0x60  }
0xb4: {  	[dreg:$0x2] =	wrdreg s15  }
0xb5: {  	[dreg:$0x3] =	wrdreg s16  }
0xb6: {  	[dreg:$0x4] =	wrdreg s24  }
0xb7: {  	[dreg:$0x5] =	wrdreg $0x9  }
0xb8: {  	_ =	task.clear_ibuf [dreg:s8], $0x6FFFF;
	_ =	strace $0x90000046  }
0xb9: {  	s29 =	simm.s32 $0x9;
	_ =	strace $0x80000048  }
0xba: {  	_ =	swait.ge [sflag:s29], $0x1  }
0xbb: {  	[sflag:s29] =	ssyncadd.s32 $0xFFFFFFFF  }
0xbc: {  	_ =	strace $0x90000048  }
0xbd: {  	_ =	sfence  }
0xbe: {  	s30 =	sld [smem:$0x0];
	_ =	sdelay $0x2  }
0xbf: {  	s31 =	sshll.u32 s1, $0xD;
	s1 =	sshrl.u32 s1, $0x2  }
0xc0: {  	s3 =	sand.u32 $0x4000, s31;
	s1 =	sadd.s32 s1, s30  }
0xc1: {  	s0 =	sor.u32 s3, s0;
	s1 =	sshll.u32 s1, $0x11  }
0xc2: {  	s0 =	sor.u32 s1, s0  }
0xc3: {  	s0 =	sadd.s32 $0x8F2B, s0  }
0xc4: {  	[sflag:s0] =	ssyncadd.remote.s32 $0x1  }
0xc5: {  	_ =	sfence.sel $0xFFFF  }
0xc6: {  	[dreg:$0x0] =	wrdreg $0xFFFFFFFF;
	(pc) =	sbr.abs _section_cstart, $3  }
0xc7: {  	[dreg:$0x1] =	wrdreg $0xFFFFFFFF  }
0xc8: {  	_ =	task.clear_ibuf [dreg:s8], $0x2FFFF;
	_ =	strace $0x9FFFFFFF  }
0xc9: {  	(tm) =	ssettm $0x7FFFFFFF  }
tec
execute0_lowered:
.L_overlay_start_1:
0x0: {  	(tag) =	ssettag $0x1  }
0x1: {  	s5 =	rddreg [dreg:$0x0]  }
0x2: {  	s4 =	rddreg [dreg:$0x2]  }
0x3: {  	s6 =	srdreg.scid;
	s0 =	stileid.u32  }
0x4: {  	s3 =	simm.s32 $0x0;
	s11 =	simm.s32 $0x2000;
	s12 =	simm.s32 $0x8000  }
0x5: {  	s13 =	simm.s32 $0x5;
	s14 =	simm.s32 $0x1;
	s15 =	simm.s32 $0x4000  }
0x6: {  	s16 =	simm.s32 $0x2;
	s17 =	simm.s32 $0x6000;
	s18 =	simm.s32 $0x3  }
0x7: {  	s19 =	simm.s32 $0x4;
	s20 =	simm.s32 $0x0;
	s6 =	sand.u32 $0x1, s6  }
0x8: {  	s7 =	sshll.u32 s0, $0x6;
	s9 =	sshll.u32 s0, $0xC;
	[smem:$0x7FF] =	sst s3  }
0x9: {  	s30 =	sadd.s32 $0x600, s4;
	s8 =	sshll.u32 s6, $0x5;
	s7 =	sand.u32 $0x40, s7  }
0xa: {  	s9 =	sand.u32 $0xE000, s9;
	s6 =	ssub.s32 $0x2, s6;
	s7 =	sor.u32 s8, s7  }
0xb: {  	_ =	strace $0x80000047;
	s31 =	sshrl.u32 s6, $0x1;
	s7 =	sor.u32 s9, s7  }
0xc: {  	s10 =	ssub.s32 s6, s31;
	s9 =	sor.u32 $0x10, s7;
	s4 =	sadd.s32 s5, s7  }
0xd: {  	s6 =	sadd.s32 s30, s7;
	s8 =	smax.u32 s10, $0x1;
	s10 =	simm.s32 $0x400  }
0xe: {  	v0 =	vlaneseq.u32;
	v1 =	vimm.s32 $0x0;
	s5 =	sadd.s32 s5, s9;
	s7 =	sadd.s32 s30, s9;
	s9 =	simm.s32 $0x80  }
.LBB2_1:
0xf: {  	[tilespmem:s3], [sflag:$0x1] =	stream.strided.gather [hbm4b:s4+s9], $0x2000, s10, s9, $0x38;
	[tilespmem:$0x8080] =	vst v63  }
0x10: {  	_ = 	snop  }
0x11: {  	[tilespmem:s11], [sflag:$0x2] =	stream.strided.gather [hbm4b:s5+s9], $0x2000, s10, s9, $0x38;
	[tilespmem:$0x8080] =	vst v63  }
0x12: {  	s0 =	rddreg [dreg:$0x1]  }
0x13: {  	[tilespmem:s12], [sflag:$0x5] =	stream.linear.gather [hbm4b:s0+s3], $0x80, $0x38;
	[tilespmem:$0x8080] =	vst v63  }
0x14: {  	_ =	swait.ge [sflag:s13], $0x80  }
0x15: {  	[sflag:s13] =	ssyncset.done $0x0  }
0x16: {  	[sflag:s13] =	ssyncadd.s32 $0xFFFFFF80  }
0x17: {  	v2 =	vld [tilespmem:$0x8000];
	_ =	swait.ge [sflag:s14], $0x2000  }
0x18: {  	[sflag:s14] =	ssyncset.done $0x0  }
0x19: {  	[sflag:s14] =	ssyncadd.s32 $0xFFFFE000  }
0x1a: {  	v3 =	vld [tilespmem:$0x0]  }
0x1b: {  	v4 =	vld [tilespmem:$0x1FF0];
	_ =	sdelay $0x2  }
0x1c: {  	vm0 =	veq.s32 v0, $0x0  }
0x1d: {  	v3 =	vsel vm0, $0x0, v3;
	vm0 =	veq.s32 v0, $0xF  }
0x1e: {  	[tilespmem:$0x0] =	vst v3;
	v3 =	vsel vm0, $0x0, v4  }
0x1f: {  	s21 =	simm.s32 $0x40;
	[tilespmem:$0x1FF0] =	vst v3  }
0x20: {  	v3 =	vld [tilespmem:s21+$0xFFFFFFE0]  }
0x21: {  	v4 =	vld [tilespmem:s21+$0x20]  }
0x22: {  	v5 =	vld [tilespmem:s21+$0x30]  }
0x23: {  	v6 =	vld [tilespmem:s21+$0xFFFFFFC0]  }
0x24: {  	v7 =	vld [tilespmem:s21+$0xFFFFFFF0]  }
0x25: {  	v8 =	vld [tilespmem:s21+$0xFFFFFFD0];
	vm0 =	vlt.s32 v3, $0x1  }
0x26: {  	v3 =	vnsel vm0, $0x1, v3;
	vm0 =	vlt.s32 v4, $0x1  }
0x27: {  	s22 =	simm.s32 $0xC0;
	vm1 =	vlt.s32 v5, $0x1;
	(xrf0) =	vadd.scan.msk.s32 $0xffff, v3;
	v4 =	vnsel vm0, $0x1, v4  }
0x28: {  	v9 =	vld [tilespmem:s22+$0xFFFFFFE0];
	v5 =	vnsel vm1, $0x1, v5;
	vm0 =	vlt.s32 v6, $0x1;
	(xrf0) =	vadd.scan.msk.s32 $0xffff, v4  }
0x29: {  	v10 =	vld [tilespmem:s21+$0x0];
	vm1 =	vlt.s32 v7, $0x1;
	v6 =	vnsel vm0, $0x1, v6;
	(xrf0) =	vadd.scan.msk.s32 $0xffff, v5  }
0x2a: {  	v11 =	vld [tilespmem:s21+$0x10];
	v7 =	vnsel vm1, $0x1, v7;
	vm0 =	vlt.s32 v8, $0x1;
	(xrf0) =	vadd.scan.msk.s32 $0xffff, v6  }
0x2b: {  	v12 =	vld [tilespmem:s22+$0x20];
	v8 =	vnsel vm0, $0x1, v8;
	(xrf0) =	vadd.scan.msk.s32 $0xffff, v7  }
0x2c: {  	v13 =	vld [tilespmem:s22+$0x30];
	(xrf0) =	vadd.scan.msk.s32 $0xffff, v8  }
0x2d: {  	v15 =	vld [tilespmem:s22+$0xFFFFFFC0];
	v14, _, _ =	vpop (xrf0)  }
0x2e: {  	v16 =	vld [tilespmem:s22+$0xFFFFFFF0];
	vm0 =	vlt.s32 v9, $0x1;
	v17, _, _ =	vpop (xrf0)  }
0x2f: {  	vm1 =	vlt.s32 v10, $0x1;
	v9 =	vnsel vm0, $0x1, v9;
	vm0 =	vlt.s32 v11, $0x1;
	v19, _, _ =	vpop (xrf0)  }
0x30: {  	v18 =	vld [tilespmem:s22+$0xFFFFFFD0];
	v10 =	vnsel vm1, $0x1, v10;
	v11 =	vnsel vm0, $0x1, v11;
	vm0 =	vlt.s32 v12, $0x1;
	(xrf0) =	vadd.scan.msk.s32 $0xffff, v9;
	v21, _, _ =	vpop (xrf0)  }
0x31: {  	s26 =	simm.s32 $0x140;
	vm1 =	vlt.s32 v13, $0x1;
	v22 =	vnsel vm0, $0x1, v12;
	(xrf0) =	vadd.scan.msk.s32 $0xffff, v10;
	v12, _, _ =	vpop (xrf0);
	(v2sf) =	vpush v21, $0xF  }
0x32: {  	v23 =	vld [tilespmem:s26+$0xFFFFFFE0];
	v24 =	vnsel vm1, $0x1, v13;
	(xrf0) =	vadd.scan.msk.s32 $0xffff, v11;
	v13, _, _ =	vpop (xrf0)  }
0x33: {  	v62 =	vld [tilespmem:s22+$0x0];
	vm1 =	vlt.s32 v16, $0x1;
	vm0 =	vlt.s32 v15, $0x1;
	(xrf0) =	vadd.scan.msk.s32 $0xffff, v22;
	(v2sf) =	vpush v13, $0xF  }
0x34: {  	v20 =	vld [tilespmem:s22+$0x10];
	v6 =	vadd.s32 v1, v6;
	v16 =	vnsel vm1, $0x1, v16;
	v15 =	vnsel vm0, $0x1, v15;
	(xrf0) =	vadd.scan.msk.s32 $0xffff, v24  }
0x35: {  	v6 =	vadd.s32 v8, v6;
	vm0 =	vlt.s32 v18, $0x1;
	(xrf0) =	vadd.scan.msk.s32 $0xffff, v15;
	(v2sf) =	vpush v14, $0xF  }
0x36: {  	v3 =	vadd.s32 v3, v6;
	v6 =	vld [tilespmem:s26+$0x30];
	v13, _, _ =	vpop (xrf0);
	(xrf0) =	vadd.scan.msk.s32 $0xffff, v16;
	v14 =	vnsel vm0, $0x1, v18  }
0x37: {  	vm1 =	vlt.s32 v23, $0x1;
	v8 =	vld [tilespmem:s26+$0x20];
	v3 =	vadd.s32 v7, v3;
	v18, _, _ =	vpop (xrf0);
	(xrf0) =	vadd.scan.msk.s32 $0xffff, v14;
	(v2sf) =	vpush v12, $0xF  }
0x38: {  	v25 =	vld [tilespmem:s26+$0x10];
	vm2 =	vlt.s32 v62, $0x1;
	v23 =	vnsel vm1, $0x1, v23;
	v3 =	vadd.s32 v10, v3;
	v12, _, _ =	vpop (xrf0)  }
0x39: {  	v7 =	vld [tilespmem:s26+$0xFFFFFFC0];
	v21 =	vnsel vm2, $0x1, v62;
	vm0 =	vlt.s32 v20, $0x1;
	(v2sf) =	vpush v18, $0xF;
	(xrf0) =	vadd.scan.msk.s32 $0xffff, v23;
	v18, _, _ =	vpop (xrf0)  }
0x3a: {  	v3 =	vadd.s32 v11, v3;
	v10 =	vnsel vm0, $0x1, v20;
	(v2sf) =	vpush v12, $0xF;
	v12 =	vld [tilespmem:s26+$0xFFFFFFF0];
	(xrf0) =	vadd.scan.msk.s32 $0xffff, v21;
	v20, _, _ =	vpop (xrf0)  }
0x3b: {  	s28 =	simm.s32 $0x1C0;
	v27 =	vld [tilespmem:s26+$0x0];
	v26 =	vadd.s32 v4, v3;
	vm1 =	vlt.s32 v6, $0x1;
	(v2sf) =	vpush v17, $0xF;
	v17, _, _ =	vpop (xrf0);
	(xrf0) =	vadd.scan.msk.s32 $0xffff, v10  }
0x3c: {  	v28 =	vld [tilespmem:s28+$0x30];
	v5 =	vadd.s32 v5, v26;
	vm0 =	vlt.s32 v8, $0x1;
	(v2sf) =	vpush v19, $0xF;
	v19, _, _ =	vpop (xrf0)  }
0x3d: {  	v29 =	vld [tilespmem:s28+$0x10];
	v4 =	vnsel vm1, $0x1, v6;
	v3 =	vnsel vm0, $0x1, v8;
	(v2sf) =	vpush v17, $0xF;
	v17, _, _ =	vpop (xrf0)  }
0x3e: {  	v11 =	vld [tilespmem:s26+$0xFFFFFFD0];
	v5 =	vadd.s32 v5, v15;
	vm0 =	vlt.s32 v7, $0x1;
	(xrf0) =	vadd.scan.msk.s32 $0xffff, v3;
	(v2sf) =	vpush v17, $0xF  }
0x3f: {  	v6 =	vld [tilespmem:s28+$0x20];
	(xrf0) =	vadd.scan.msk.s32 $0xffff, v4;
	vm1 =	vlt.s32 v12, $0x1;
	v17 =	vnsel vm0, $0x1, v7;
	v7, _, _ =	vpop (xrf0);
	(v2sf) =	vpush v13, $0xF  }
0x40: {  	v5 =	vadd.s32 v14, v5;
	v8 =	vld [tilespmem:s28+$0xFFFFFFE0];
	v63 =	vnsel vm1, $0x1, v12;
	(xrf0) =	vadd.scan.msk.s32 $0xffff, v17;
	v12, _, _ =	vpop (xrf0);
	(v2sf) =	vpush v19, $0xF;
	s29 =	spop (v2sf)  }
0x41: {  	v5 =	vadd.s32 v9, v5;
	v13 =	vld [tilespmem:s28+$0xFFFFFFD0];
	(xrf0) =	vadd.scan.msk.s32 $0xffff, v63;
	(v2sf) =	vpush v12, $0xF;
	v12, _, _ =	vpop (xrf0);
	[smem:$0x0] =	sst s29  }
0x42: {  	v5 =	vadd.s32 v16, v5;
	s22 =	spop (v2sf)  }
0x43: {  	v5 =	vadd.s32 v21, v5;
	vm0 =	vlt.s32 v11, $0x1;
	(v2sf) =	vpush v12, $0xF;
	v14 =	vld [tilespmem:s28+$0xFFFFFFC0];
	[smem:$0x1] =	sst s22  }
0x44: {  	v10 =	vadd.s32 v10, v5;
	v9 =	vnsel vm0, $0x1, v11;
	s22 =	spop (v2sf)  }
0x45: {  	vm0 =	vlt.s32 v8, $0x1;
	(v2sf) =	vpush v18, $0xF;
	v12 =	vld [tilespmem:s28+$0x0];
	(xrf0) =	vadd.scan.msk.s32 $0xffff, v9;
	[smem:$0x2] =	sst s22  }
0x46: {  	v5 =	vnsel vm0, $0x1, v8;
	s22 =	spop (v2sf)  }
0x47: {  	v8 =	vadd.s32 v22, v10;
	v16 =	vld [tilespmem:s28+$0xFFFFFFF0];
	(xrf0) =	vadd.scan.msk.s32 $0xffff, v5;
	(v2sf) =	vpush v20, $0xF;
	v10, _, _ =	vpop (xrf0);
	[smem:$0x3] =	sst s22  }
0x48: {  	vm0 =	vlt.s32 v27, $0x1;
	v8 =	vadd.s32 v24, v8;
	s30 =	spop (v2sf)  }
0x49: {  	v15 =	vnsel vm0, $0x1, v27;
	v8 =	vadd.s32 v8, v17;
	v11, _, _ =	vpop (xrf0);
	[smem:s19] =	sst s30;
	s31 =	spop (v2sf)  }
0x4a: {  	vm2 =	vlt.s32 v29, $0x1;
	vm0 =	vlt.s32 v25, $0x1;
	v8 =	vadd.s32 v9, v8;
	v18, _, _ =	vpop (xrf0);
	(xrf0) =	vadd.scan.msk.s32 $0xffff, v15;
	[smem:$0x5] =	sst s31  }
0x4b: {  	v19 =	vnsel vm0, $0x1, v25;
	vm0 =	vlt.s32 v6, $0x1;
	v8 =	vadd.s32 v23, v8;
	s21 =	spop (v2sf)  }
0x4c: {  	vm1 =	vlt.s32 v28, $0x1;
	v8 =	vadd.s32 v63, v8;
	v9 =	vnsel vm0, $0x1, v6;
	v17, _, _ =	vpop (xrf0);
	(xrf0) =	vadd.scan.msk.s32 $0xffff, v19;
	[smem:$0x6] =	sst s21  }
0x4d: {  	s23 =	simm.s32 $0x240;
	v6 =	vnsel vm2, $0x1, v29;
	v15 =	vadd.s32 v15, v8;
	v8 =	vnsel vm1, $0x1, v28;
	s21 =	spop (v2sf)  }
0x4e: {  	s22 =	simm.s32 $0x18;
	vm1 =	vlt.s32 v13, $0x1;
	vm0 =	vlt.s32 v12, $0x1;
	v15 =	vadd.s32 v19, v15;
	[smem:$0x7] =	sst s21;
	s21 =	simm.s32 $0x4  }
.LBB2_2:
0x4f: {  	v19 =	vld [tilespmem:s23+$0xFFFFFFE0];
	s22 =	sadd.s32 $0x8, s22;
	vm2 =	vlt.s32 v14, $0x1;
	vm3 =	vlt.s32 v16, $0x1;
	(v2sf) =	vpush v18, $0xF;
	v18, _, _ =	vpop (xrf0);
	s21 =	sadd.s32 $0x8, s21  }
0x50: {  	v20 =	vld [tilespmem:s23+$0x20];
	p0 =	slt.u32 s22, $0x1F8;
	v14 =	vnsel vm2, $0x1, v14;
	v21 =	vnsel vm3, $0x1, v16;
	v16, _, _ =	vpop (xrf0);
	(xrf0) =	vadd.scan.msk.s32 $0xffff, v9;
	(v2sf) =	vpush v18, $0xF  }
0x51: {  	v18 =	vadd.s32 v3, v15;
	v15 =	vmovc v12;
	v22 =	vld [tilespmem:s23+$0x30];
	(xrf0) =	vadd.scan.msk.s32 $0xffff, v8;
	(v2sf) =	vpush v7, $0xF;
	v7 =	vmov v16  }
0x52: {  	v3 =	vmov v9;
	v16 =	vadd.s32 v4, v18;
	v23 =	vld [tilespmem:s23+$0x10];
	(xrf0) =	vadd.scan.msk.s32 $0xffff, v14;
	(v2sf) =	vpush v17, $0xF;
	v12, _, _ =	vpop (xrf0);
	s24 =	spop (v2sf)  }
0x53: {  	v4 =	vmov v8;
	v9 =	vadd.s32 v16, v14;
	v24 =	vld [tilespmem:s23+$0xFFFFFFD0];
	(xrf0) =	vadd.scan.msk.s32 $0xffff, v21;
	(v2sf) =	vpush v12, $0xF;
	v12, _, _ =	vpop (xrf0);
	[smem:s21+$0xFFFFFFFC] =	sst s24;
	s24 =	spop (v2sf)  }
0x54: {  	v8 =	vnsel vm1, $0x1, v13;
	v14 =	vld [tilespmem:s23+$0xFFFFFFC0];
	vm2 =	vlt.s32 v19, $0x1;
	(v2sf) =	vpush v12, $0xF;
	[smem:s21+$0xFFFFFFFD] =	sst s24;
	s24 =	spop (v2sf)  }
0x55: {  	v9 =	vadd.s32 v8, v9;
	v19 =	vnsel vm2, $0x1, v19;
	v12 =	vld [tilespmem:s23+$0x0];
	(xrf0) =	vadd.scan.msk.s32 $0xffff, v8;
	(v2sf) =	vpush v10, $0xF;
	[smem:s21+$0xFFFFFFFE] =	sst s24;
	s24 =	spop (v2sf)  }
0x56: {  	[smem:s21+$0xFFFFFFFF] =	sst s24  }
.Ltmp0:
0x57: {  	v5 =	vadd.s32 v5, v9;
	v16 =	vld [tilespmem:s23+$0xFFFFFFF0];
	(xrf0) =	vadd.scan.msk.s32 $0xffff, v19;
	v10, _, _ =	vpop (xrf0);
	(v2sf) =	vpush v11, $0xF;
	s24 =	spop (v2sf);
	(pc) =	sbr.rel @p0 .LBB2_2-.Ltmp0, $4  }
0x58: {  	v5 =	vadd.s32 v21, v5;
	v8 =	vnsel vm0, $0x1, v15;
	vm2 =	vlt.s32 v23, $0x1;
	v11, _, _ =	vpop (xrf0);
	[smem:s21] =	sst s24;
	s24 =	spop (v2sf)  }
0x59: {  	vm0 =	vlt.s32 v20, $0x1;
	vm1 =	vlt.s32 v22, $0x1;
	v21 =	vadd.s32 v8, v5;
	v18, _, _ =	vpop (xrf0);
	(xrf0) =	vadd.scan.msk.s32 $0xffff, v8;
	[smem:s21+$0x1] =	sst s24;
	s24 =	spop (v2sf)  }
0x5a: {  	v9 =	vnsel vm0, $0x1, v20;
	v15 =	vadd.s32 v6, v21;
	v8 =	vnsel vm1, $0x1, v22;
	v17, _, _ =	vpop (xrf0);
	(xrf0) =	vadd.scan.msk.s32 $0xffff, v6;
	[smem:s21+$0x2] =	sst s24;
	s24 =	spop (v2sf)  }
0x5b: {  	s23 =	sadd.s32 $0x80, s23;
	vm1 =	vlt.s32 v24, $0x1;
	v13 =	vmovc v24;
	v5 =	vmovc v19;
	v6 =	vnsel vm2, $0x1, v23;
	vm0 =	vlt.s32 v12, $0x1;
	[smem:s21+$0x3] =	sst s24  }
0x5c: {  	vm2 =	vlt.s32 v14, $0x1;
	(xrf0) =	vadd.scan.msk.s32 $0xffff, v9  }
0x5d: {  	vm3 =	vlt.s32 v16, $0x1;
	v14 =	vnsel vm2, $0x1, v14;
	(xrf0) =	vadd.scan.msk.s32 $0xffff, v8  }
0x5e: {  	(v2sf) =	vpush v18, $0xF;
	v61, _, _ =	vpop (xrf0);
	v16 =	vnsel vm3, $0x1, v16;
	(xrf0) =	vadd.scan.msk.s32 $0xffff, v14  }
0x5f: {  	v13 =	vnsel vm1, $0x1, v13;
	v19, _, _ =	vpop (xrf0);
	(v2sf) =	vpush v61, $0xF;
	(xrf0) =	vadd.scan.msk.s32 $0xffff, v16  }
0x60: {  	(v2sf) =	vpush v7, $0xF;
	v7, _, _ =	vpop (xrf0);
	(xrf0) =	vadd.scan.msk.s32 $0xffff, v13  }
0x61: {  	(v2sf) =	vpush v17, $0xF;
	v62, _, _ =	vpop (xrf0)  }
0x62: {  	v12 =	vnsel vm0, $0x1, v12;
	(v2sf) =	vpush v7, $0xF;
	v7, _, _ =	vpop (xrf0)  }
0x63: {  	(v2sf) =	vpush v62, $0xF;
	(xrf0) =	vadd.scan.msk.s32 $0xffff, v12;
	v63, _, _ =	vpop (xrf0)  }
0x64: {  	(v2sf) =	vpush v10, $0xF;
	(xrf0) =	vadd.scan.msk.s32 $0xffff, v6;
	v10, _, _ =	vpop (xrf0)  }
0x65: {  	s21 =	sadd.s32 $0x8, s21;
	s22 =	spop (v2sf);
	(v2sf) =	vpush v11, $0xF;
	v11, _, _ =	vpop (xrf0)  }
0x66: {  	[smem:s21+$0xFFFFFFFC] =	sst s22;
	s26 =	spop (v2sf);
	(v2sf) =	vpush v10, $0xF;
	v10, _, _ =	vpop (xrf0)  }
0x67: {  	[smem:s21+$0xFFFFFFFD] =	sst s26;
	s0 =	spop (v2sf);
	(v2sf) =	vpush v10, $0xF  }
0x68: {  	[smem:s21+$0xFFFFFFFE] =	sst s0;
	s1 =	spop (v2sf);
	(v2sf) =	vpush v19, $0xF  }
0x69: {  	[smem:s21+$0xFFFFFFFF] =	sst s1;
	s2 =	spop (v2sf);
	v10, _, _ =	vpop (xrf0);
	(v2sf) =	vpush v11, $0xF  }
0x6a: {  	[smem:s21] =	sst s2;
	s23 =	spop (v2sf);
	(v2sf) =	vpush v10, $0xF;
	v10, _, _ =	vpop (xrf0)  }
0x6b: {  	[smem:s21+$0x1] =	sst s23;
	s24 =	spop (v2sf);
	(v2sf) =	vpush v10, $0xF  }
0x6c: {  	[smem:s21+$0x2] =	sst s24;
	s25 =	spop (v2sf);
	(v2sf) =	vpush v7, $0xF  }
0x6d: {  	[smem:s21+$0x3] =	sst s25;
	s21 =	sadd.s32 $0x8, s21;
	s26 =	spop (v2sf);
	(v2sf) =	vpush v63, $0xF  }
0x6e: {  	s23 =	spop (v2sf);
	[smem:s21+$0xFFFFFFFC] =	sst s26  }
0x6f: {  	s0 =	spop (v2sf);
	[smem:s21+$0xFFFFFFFD] =	sst s23  }
0x70: {  	s1 =	spop (v2sf);
	[smem:s21+$0xFFFFFFFE] =	sst s0  }
0x71: {  	[smem:s21+$0xFFFFFFFF] =	sst s1;
	s2 =	spop (v2sf)  }
0x72: {  	[smem:s21] =	sst s2;
	s23 =	spop (v2sf)  }
0x73: {  	[smem:s21+$0x1] =	sst s23;
	s24 =	spop (v2sf)  }
0x74: {  	[smem:s21+$0x2] =	sst s24;
	s25 =	spop (v2sf)  }
0x75: {  	[smem:s21+$0x3] =	sst s25;
	s21 =	sadd.s32 $0x8, s21;
	s26 =	spop (v2sf)  }
0x76: {  	[smem:s21+$0xFFFFFFFC] =	sst s26;
	s0 =	spop (v2sf)  }
0x77: {  	v3 =	vadd.s32 v3, v15;
	[smem:s21+$0xFFFFFFFD] =	sst s0;
	s1 =	spop (v2sf)  }
0x78: {  	v3 =	vadd.s32 v4, v3;
	[smem:s21+$0xFFFFFFFE] =	sst s1;
	s2 =	spop (v2sf)  }
0x79: {  	v3 =	vadd.s32 v3, v14;
	[smem:s21+$0xFFFFFFFF] =	sst s2;
	s23 =	spop (v2sf)  }
0x7a: {  	v3 =	vadd.s32 v13, v3;
	[smem:s21] =	sst s23;
	s24 =	spop (v2sf)  }
0x7b: {  	v3 =	vadd.s32 v5, v3;
	[smem:s21+$0x1] =	sst s24;
	s25 =	spop (v2sf)  }
0x7c: {  	v3 =	vadd.s32 v16, v3;
	[smem:s21+$0x2] =	sst s25;
	s26 =	spop (v2sf)  }
0x7d: {  	v3 =	vadd.s32 v12, v3;
	s0 =	simm.s32 $0x40;
	[smem:s21+$0x3] =	sst s26  }
0x7e: {  	v3 =	vadd.s32 v6, v3;
	v6 =	vld [tilespmem:s0+$0xFFFFFFD0]  }
0x7f: {  	v3 =	vadd.s32 v9, v3  }
0x80: {  	v3 =	vadd.s32 v8, v3;
	v7 =	vld [tilespmem:s0+$0xFFFFFFC0]  }
0x81: {  	(xrf0) =	vadd.scan.msk.s32 $0xffff, v3  }
0x82: {  	v8 =	vld [tilespmem:s0+$0xFFFFFFF0]  }
0x83: {  	v9 =	vld [tilespmem:s0+$0x20];
	vm0 =	vlt.s32 v6, $0x1  }
0x84: {  	v10 =	vld [tilespmem:s0+$0x0];
	v3 =	vnsel vm0, $0x1, v6  }
0x85: {  	v12 =	vld [tilespmem:s0+$0xFFFFFFE0];
	vm0 =	vlt.s32 v7, $0x1;
	(xrf0) =	vadd.scan.msk.s32 $0xffff, v3  }
0x86: {  	v5 =	vld [tilespmem:s0+$0x30];
	v3 =	vnsel vm0, $0x1, v7  }
0x87: {  	v4, _, _ =	vpop (xrf0);
	v11 =	vld [tilespmem:s0+$0x10];
	vm0 =	vlt.s32 v8, $0x1;
	(xrf0) =	vadd.scan.msk.s32 $0xffff, v3  }
0x88: {  	v3 =	vnsel vm0, $0x1, v8;
	vm0 =	vlt.s32 v9, $0x1;
	s21 =	sld [smem:$0x0]  }
0x89: {  	s1 =	sld [smem:$0x1];
	(xrf0) =	vadd.scan.msk.s32 $0xffff, v3;
	v3 =	vnsel vm0, $0x1, v9;
	vm0 =	vlt.s32 v10, $0x1  }
0x8a: {  	v4 =	vbroadcast v4, $0xF;
	s2 =	sld [smem:$0x2];
	(xrf0) =	vadd.scan.msk.s32 $0xffff, v3;
	v3 =	vnsel vm0, $0x1, v10  }
0x8b: {  	vm1 =	vlt.s32 v5, $0x1;
	vm4 =	vgt.s32 v8, $0x0;
	vm0 =	vlt.s32 v12, $0x1;
	s24 =	sld [smem:$0x3];
	(xrf0) =	vadd.scan.msk.s32 $0xffff, v3;
	v13, _, _ =	vpop (xrf0)  }
0x8c: {  	vm3 =	vlt.s32 v11, $0x1;
	v8 =	vnsel vm1, $0x1, v5;
	v14 =	vnsel vm0, $0x1, v12;
	s21 =	sadd.s32 $0x0, s21;
	s25 =	sld [smem:$0x4]  }
0x8d: {  	v3 =	vadd.s32 v0, v4;
	vm0 =	vgt.s32 v10, $0x0;
	v10 =	vadd.s32 s21, v13;
	s26 =	sld [smem:$0x5];
	v15, _, _ =	vpop (xrf0);
	(xrf0) =	vadd.scan.msk.s32 $0xffff, v14  }
0x8e: {  	vm2 =	vgt.s32 v11, $0x0;
	s31 =	sld [smem:$0x6];
	(xrf0) =	vadd.scan.msk.s32 $0xffff, v8;
	v8 =	vnsel vm3, $0x1, v11;
	v11 =	vsub.s32 v3, v10  }
0x8f: {  	vm5 =	vgt.s32 v6, $0x0;
	s29 =	sadd.s32 s21, s1;
	v6 =	vadd.s32 $0x10, v11  }
0x90: {  	s21 =	sadd.s32 s29, s2;
	v6 =	vsel vm5, v10, v6  }
0x91: {  	vm6 =	vgt.s32 v7, $0x0;
	s30 =	sadd.s32 s21, s24;
	s24 =	simm.s32 $0x0;
	vm3 =	vgt.s32 v9, $0x0;
	s0 =	sld [smem:$0x7];
	v9, _, _ =	vpop (xrf0)  }
0x92: {  	vm1 =	vgt.s32 v12, $0x0;
	(xrf0) =	vadd.scan.msk.s32 $0xffff, v8;
	s28 =	sadd.s32 s30, s25;
	v8 =	vadd.s32 s21, v9;
	v10 =	vadd.s32 s24, v15  }
0x93: {  	s26 =	sadd.s32 s28, s26;
	vm5 =	vlt.s32 v6, v2;
	v7 =	vsub.s32 v3, v8;
	v11 =	vsub.s32 v3, v10;
	v6, _, _ =	vpop (xrf0)  }
0x94: {  	v12 =	vadd.s32 $0x30, v7;
	v7 =	vadd.s32 s26, v6;
	v6 =	vsel vm6, v10, v11  }
0x95: {  	v8 =	vsel vm4, v8, v12;
	v9, _, _ =	vpop (xrf0);
	vm4 =	vlt.s32 v6, v2;
	v6 =	vsub.s32 v3, v7  }
0x96: {  	s22 =	simm.s32 $0x4040;
	v11, _, _ =	vpop (xrf0)  }
0x97: {  	s23 =	simm.s32 $0x4;
	v4 =	vadd.s32 $0x80, v3;
	s25 =	simm.s32 $0xC0;
	s31 =	sadd.s32 s26, s31;
	v10 =	vsel vm5, $0x1, v1;
	vm5 =	vlt.s32 v8, v2;
	v13, _, _ =	vpop (xrf0)  }
0x98: {  	s24 =	simm.s32 $0x0;
	s21 =	simm.s32 $0x4040;
	s26 =	sadd.s32 s31, s0;
	[tilespmem:s22+$0xFFFFFFD0] =	vst v10;
	v8 =	vsel vm5, $0x1, v1;
	v10 =	vsel vm4, $0x1, v1;
	v12 =	vadd.s32 $0x60, v6;
	v6, _, _ =	vpop (xrf0)  }
.LBB2_4:
0x99: {  	v9 =	vadd.s32 s30, v9  }
0x9a: {  	v14 =	vld [tilespmem:s25+$0xFFFFFFD0];
	s24 =	sadd.s32 $0x8, s24;
	v13 =	vadd.s32 s31, v13;
	vm4 =	vgt.s32 v5, $0x0;
	s22 =	sadd.s32 $0x80, s22;
	s23 =	sadd.s32 $0x8, s23;
	v15 =	vmovc v4;
	vm5 =	vmmov vm2  }
0x9b: {  	v4 =	vadd.s32 $0x80, v4;
	v5 =	vadd.s32 s29, v11;
	v16 =	vld [tilespmem:s25+$0xFFFFFFC0];
	p0 =	slt.u32 s24, $0x1F8;
	v11 =	vsub.s32 v3, v9  }
0x9c: {  	v7 =	vsel vm3, v7, v12;
	v18 =	vsub.s32 v3, v5;
	v17 =	vld [tilespmem:s25+$0xFFFFFFF0];
	v11 =	vadd.s32 $0x40, v11  }
0x9d: {  	v12 =	vld [tilespmem:s25+$0x20];
	[tilespmem:s21+$0xFFFFFFC0] =	vst v10;
	v10 =	vadd.s32 $0x20, v18;
	v9 =	vsel vm0, v9, v11;
	v11 =	vsub.s32 v3, v13  }
0x9e: {  	v18 =	vld [tilespmem:s25+$0x0];
	v5 =	vsel vm1, v5, v10;
	vm0 =	vlt.s32 v9, v2;
	v9 =	vadd.s32 $0x70, v11  }
0x9f: {  	vm1 =	vlt.s32 v14, $0x1;
	v10 =	vld [tilespmem:s25+$0x10];
	v11 =	vsel vm0, $0x1, v1;
	v9 =	vsel vm4, v13, v9  }
0xa0: {  	v13 =	vnsel vm1, $0x1, v14;
	v19 =	vld [tilespmem:s25+$0xFFFFFFE0];
	vm1 =	vlt.s32 v5, v2;
	[tilespmem:s21+$0xFFFFFFF0] =	vst v8;
	vm6 =	vlt.s32 v9, v2  }
0xa1: {  	vm0 =	vlt.s32 v16, $0x1;
	vm2 =	vlt.s32 v17, $0x1;
	vm4 =	vgt.s32 v17, $0x0;
	v5 =	vld [tilespmem:s25+$0x30];
	(xrf0) =	vadd.scan.msk.s32 $0xffff, v13  }
0xa2: {  	v6 =	vadd.s32 s28, v6;
	v8 =	vnsel vm0, $0x1, v16;
	v9 =	vnsel vm2, $0x1, v17;
	[tilespmem:s21+$0x0] =	vst v11  }
0xa3: {  	vm2 =	vlt.s32 v18, $0x1;
	vm0 =	vgt.s32 v18, $0x0;
	(xrf0) =	vadd.scan.msk.s32 $0xffff, v8;
	v8 =	vsel vm1, $0x1, v1  }
0xa4: {  	vm1 =	vlt.s32 v12, $0x1;
	s0 =	sld [smem:s23+$0xFFFFFFFC];
	v11 =	vnsel vm2, $0x1, v18;
	vm2 =	vgt.s32 v10, $0x0;
	[tilespmem:s21+$0xFFFFFFE0] =	vst v8  }
0xa5: {  	v8 =	vnsel vm1, $0x1, v12;
	s28 =	sld [smem:s23+$0xFFFFFFFD];
	vm3 =	vlt.s32 v19, $0x1;
	(xrf0) =	vadd.scan.msk.s32 $0xffff, v9;
	v9 =	vsub.s32 v3, v6;
	v3 =	vmovc v15  }
0xa6: {  	vm1 =	vgt.s32 v19, $0x0;
	v13 =	vnsel vm3, $0x1, v19;
	s30 =	sld [smem:s23+$0xFFFFFFFE];
	vm3 =	vlt.s32 v5, $0x1;
	(xrf0) =	vadd.scan.msk.s32 $0xffff, v8  }
0xa7: {  	vm7 =	vlt.s32 v10, $0x1;
	v9 =	vadd.s32 $0x50, v9;
	s0 =	sadd.s32 s26, s0;
	s31 =	sld [smem:s23+$0xFFFFFFFF];
	v8 =	vnsel vm3, $0x1, v5;
	v15, _, _ =	vpop (xrf0);
	(xrf0) =	vadd.scan.msk.s32 $0xffff, v11  }
0xa8: {  	v10 =	vnsel vm7, $0x1, v10;
	v6 =	vsel vm5, v6, v9;
	v11 =	vadd.s32 s0, v15;
	s29 =	sadd.s32 s0, s28;
	s0 =	sld [smem:s23+$0x0]  }
0xa9: {  	vm3 =	vgt.s32 v12, $0x0;
	vm5 =	vlt.s32 v6, v2;
	v9 =	vsub.s32 v3, v11;
	s1 =	sadd.s32 s29, s30;
	s2 =	sld [smem:s23+$0x1];
	v12, _, _ =	vpop (xrf0);
	(xrf0) =	vadd.scan.msk.s32 $0xffff, v13  }
0xaa: {  	vm8 =	vlt.s32 v7, v2;
	vm7 =	vgt.s32 v14, $0x0;
	v6 =	vadd.s32 $0x10, v9;
	s30 =	sadd.s32 s1, s31;
	s31 =	sld [smem:s23+$0x2];
	(xrf0) =	vadd.scan.msk.s32 $0xffff, v8  }
0xab: {  	vm9 =	vgt.s32 v16, $0x0;
	v8 =	vsel vm6, $0x1, v1;
	v6 =	vsel vm7, v11, v6;
	s28 =	sadd.s32 s30, s0;
	s0 =	sld [smem:s23+$0x3];
	v7, _, _ =	vpop (xrf0);
	(xrf0) =	vadd.scan.msk.s32 $0xffff, v10  }
0xac: {  	v10 =	vsel vm8, $0x1, v1;
	vm6 =	vlt.s32 v6, v2;
	v6 =	vadd.s32 s1, v7;
	s1 =	sadd.s32 s28, s2;
	v7, _, _ =	vpop (xrf0);
	[tilespmem:s21+$0x30] =	vst v8  }
.Ltmp1:
0xad: {  	v8 =	vadd.s32 s26, v12;
	v12 =	vsel vm5, $0x1, v1;
	v14 =	vsub.s32 v3, v6;
	s31 =	sadd.s32 s1, s31;
	v9, _, _ =	vpop (xrf0);
	[tilespmem:s21+$0x20] =	vst v10;
	(pc) =	sbr.rel @p0 .LBB2_4-.Ltmp1, $4  }
0xae: {  	v10 =	vsub.s32 v3, v8;
	v7 =	vadd.s32 s1, v7;
	v15 =	vadd.s32 $0x30, v14;
	s26 =	sadd.s32 s31, s0;
	[tilespmem:s21+$0x10] =	vst v12;
	s21 =	smov.u32 s22  }
0xaf: {  	v8 =	vsel vm9, v8, v10;
	v10 =	vsel vm6, $0x1, v1;
	v15 =	vsel vm4, v6, v15;
	v11, _, _ =	vpop (xrf0)  }
0xb0: {  	v14 =	vsub.s32 v3, v7;
	vm4 =	vlt.s32 v8, v2;
	[tilespmem:s22+$0xFFFFFFD0] =	vst v10;
	vm5 =	vlt.s32 v15, v2;
	v13, _, _ =	vpop (xrf0)  }
0xb1: {  	s25 =	sadd.s32 $0x80, s25;
	v12 =	vadd.s32 $0x60, v14;
	v10 =	vsel vm4, $0x1, v1;
	v8 =	vsel vm5, $0x1, v1;
	v6, _, _ =	vpop (xrf0)  }
0xb2: {  	v4 =	vadd.s32 s30, v9;
	v9 =	vadd.s32 s31, v13  }
0xb3: {  	vm4 =	vgt.s32 v5, $0x0;
	v5 =	vadd.s32 s29, v11;
	vm2 =	vmmov vm2  }
0xb4: {  	v7 =	vsel vm3, v7, v12;
	v11 =	vsub.s32 v3, v4;
	v13 =	vsub.s32 v3, v5  }
0xb5: {  	v6 =	vadd.s32 s28, v6;
	v11 =	vadd.s32 $0x40, v11;
	v12 =	vadd.s32 $0x20, v13  }
0xb6: {  	v4 =	vsel vm0, v4, v11;
	v11 =	vsub.s32 v3, v9;
	v5 =	vsel vm1, v5, v12  }
0xb7: {  	[tilespmem:s21+$0xFFFFFFC0] =	vst v10;
	v3 =	vsub.s32 v3, v6;
	vm0 =	vlt.s32 v4, v2;
	v4 =	vadd.s32 $0x70, v11  }
0xb8: {  	[tilespmem:s21+$0xFFFFFFF0] =	vst v8;
	v10 =	vsel vm0, $0x1, v1;
	v4 =	vsel vm4, v9, v4;
	vm0 =	vlt.s32 v5, v2  }
0xb9: {  	v3 =	vadd.s32 $0x50, v3;
	vm1 =	vlt.s32 v4, v2;
	[tilespmem:s21+$0x0] =	vst v10;
	v4 =	vsel vm0, $0x1, v1  }
0xba: {  	v3 =	vsel vm2, v6, v3;
	vm0 =	vlt.s32 v7, v2;
	[tilespmem:s21+$0xFFFFFFE0] =	vst v4;
	v4 =	vsel vm1, $0x1, v1  }
0xbb: {  	vm1 =	vlt.s32 v3, v2;
	v3 =	vsel vm0, $0x1, v1;
	[tilespmem:s21+$0x30] =	vst v4  }
0xbc: {  	v4 =	vsel vm1, $0x1, v1;
	[tilespmem:s21+$0x20] =	vst v3  }
0xbd: {  	[tilespmem:s21+$0x10] =	vst v4  }
0xbe: {  	v3 =	vld [tilespmem:$0x4000];
	_ =	sdelay $0x3  }
0xbf: {  	vm0 =	veq.s32 v0, $0x0  }
0xc0: {  	v3 =	vsel vm0, $0x1, v3  }
0xc1: {  	[tilespmem:$0x4000] =	vst v3  }
0xc2: {  	[hbm4b:s6+s9] =	stream.strided.scatter [tilespmem:s15], [sflag:$0x3], $0x2000, s10, s9, $0x38;
	[tilespmem:$0x8080] =	vst v63  }
0xc3: {  	_ =	swait.ge [sflag:s16], $0x2000  }
0xc4: {  	[sflag:s16] =	ssyncset.done $0x0  }
0xc5: {  	[sflag:s16] =	ssyncadd.s32 $0xFFFFE000  }
0xc6: {  	v3 =	vld [tilespmem:$0x2000]  }
0xc7: {  	v4 =	vld [tilespmem:$0x3FF0];
	_ =	sdelay $0x3  }
0xc8: {  	v3 =	vsel vm0, $0x0, v3;
	vm0 =	veq.s32 v0, $0xF  }
0xc9: {  	[tilespmem:$0x2000] =	vst v3;
	v3 =	vsel vm0, $0x0, v4  }
0xca: {  	s0 =	simm.s32 $0x2040;
	[tilespmem:$0x3FF0] =	vst v3  }
0xcb: {  	v3 =	vld [tilespmem:s0+$0xFFFFFFE0]  }
0xcc: {  	v4 =	vld [tilespmem:s0+$0x20]  }
0xcd: {  	v5 =	vld [tilespmem:s0+$0x30]  }
0xce: {  	v6 =	vld [tilespmem:s0+$0xFFFFFFC0]  }
0xcf: {  	v7 =	vld [tilespmem:s0+$0xFFFFFFF0]  }
0xd0: {  	v8 =	vld [tilespmem:s0+$0xFFFFFFD0];
	vm0 =	vlt.s32 v3, $0x1  }
0xd1: {  	v3 =	vnsel vm0, $0x1, v3;
	vm0 =	vlt.s32 v4, $0x1  }
0xd2: {  	s1 =	simm.s32 $0x20C0;
	vm1 =	vlt.s32 v5, $0x1;
	(xrf0) =	vadd.scan.msk.s32 $0xffff, v3;
	v4 =	vnsel vm0, $0x1, v4  }
0xd3: {  	v9 =	vld [tilespmem:s1+$0xFFFFFFE0];
	v5 =	vnsel vm1, $0x1, v5;
	vm0 =	vlt.s32 v6, $0x1;
	(xrf0) =	vadd.scan.msk.s32 $0xffff, v4  }
0xd4: {  	v10 =	vld [tilespmem:s0+$0x0];
	vm1 =	vlt.s32 v7, $0x1;
	v6 =	vnsel vm0, $0x1, v6;
	(xrf0) =	vadd.scan.msk.s32 $0xffff, v5  }
0xd5: {  	v11 =	vld [tilespmem:s0+$0x10];
	v7 =	vnsel vm1, $0x1, v7;
	vm0 =	vlt.s32 v8, $0x1;
	(xrf0) =	vadd.scan.msk.s32 $0xffff, v6  }
0xd6: {  	v12 =	vld [tilespmem:s1+$0x20];
	v8 =	vnsel vm0, $0x1, v8;
	(xrf0) =	vadd.scan.msk.s32 $0xffff, v7  }
0xd7: {  	v13 =	vld [tilespmem:s1+$0x30];
	(xrf0) =	vadd.scan.msk.s32 $0xffff, v8  }
0xd8: {  	v15 =	vld [tilespmem:s1+$0xFFFFFFC0];
	v14, _, _ =	vpop (xrf0)  }
0xd9: {  	v16 =	vld [tilespmem:s1+$0xFFFFFFF0];
	vm0 =	vlt.s32 v9, $0x1;
	v17, _, _ =	vpop (xrf0)  }
0xda: {  	vm1 =	vlt.s32 v10, $0x1;
	v9 =	vnsel vm0, $0x1, v9;
	vm0 =	vlt.s32 v11, $0x1;
	v19, _, _ =	vpop (xrf0)  }
0xdb: {  	s26 =	simm.s32 $0x2140;
	v18 =	vld [tilespmem:s1+$0xFFFFFFD0];
	v10 =	vnsel vm1, $0x1, v10;
	v11 =	vnsel vm0, $0x1, v11;
	vm0 =	vlt.s32 v12, $0x1;
	(xrf0) =	vadd.scan.msk.s32 $0xffff, v9;
	v21, _, _ =	vpop (xrf0)  }
0xdc: {  	v23 =	vld [tilespmem:s26+$0xFFFFFFE0];
	vm1 =	vlt.s32 v13, $0x1;
	v22 =	vnsel vm0, $0x1, v12;
	(xrf0) =	vadd.scan.msk.s32 $0xffff, v10;
	v12, _, _ =	vpop (xrf0);
	(v2sf) =	vpush v21, $0xF  }
0xdd: {  	v61 =	vimm.s32 $0x0;
	v24 =	vld [tilespmem:s1+$0x0];
	v25 =	vnsel vm1, $0x1, v13;
	(xrf0) =	vadd.scan.msk.s32 $0xffff, v11;
	v13, _, _ =	vpop (xrf0)  }
0xde: {  	vm1 =	vlt.s32 v16, $0x1;
	vm0 =	vlt.s32 v15, $0x1;
	(xrf0) =	vadd.scan.msk.s32 $0xffff, v22;
	(v2sf) =	vpush v13, $0xF  }
0xdf: {  	v20 =	vld [tilespmem:s1+$0x10];
	v6 =	vadd.s32 v61, v6;
	v16 =	vnsel vm1, $0x1, v16;
	v15 =	vnsel vm0, $0x1, v15;
	(xrf0) =	vadd.scan.msk.s32 $0xffff, v25  }
0xe0: {  	v6 =	vadd.s32 v8, v6;
	vm0 =	vlt.s32 v18, $0x1;
	(xrf0) =	vadd.scan.msk.s32 $0xffff, v15;
	(v2sf) =	vpush v14, $0xF  }
0xe1: {  	v3 =	vadd.s32 v3, v6;
	v6 =	vld [tilespmem:s26+$0x30];
	v13, _, _ =	vpop (xrf0);
	(xrf0) =	vadd.scan.msk.s32 $0xffff, v16;
	v14 =	vnsel vm0, $0x1, v18  }
0xe2: {  	vm2 =	vlt.s32 v24, $0x1;
	vm1 =	vlt.s32 v23, $0x1;
	v8 =	vld [tilespmem:s26+$0x20];
	v18, _, _ =	vpop (xrf0);
	(xrf0) =	vadd.scan.msk.s32 $0xffff, v14;
	(v2sf) =	vpush v12, $0xF  }
0xe3: {  	v62 =	vld [tilespmem:s26+$0x10];
	v24 =	vnsel vm2, $0x1, v24;
	v23 =	vnsel vm1, $0x1, v23;
	v3 =	vadd.s32 v7, v3;
	v12, _, _ =	vpop (xrf0)  }
0xe4: {  	v7 =	vld [tilespmem:s26+$0xFFFFFFC0];
	v3 =	vadd.s32 v10, v3;
	vm0 =	vlt.s32 v20, $0x1;
	(v2sf) =	vpush v18, $0xF;
	(xrf0) =	vadd.scan.msk.s32 $0xffff, v23;
	v18, _, _ =	vpop (xrf0)  }
0xe5: {  	v3 =	vadd.s32 v11, v3;
	v10 =	vnsel vm0, $0x1, v20;
	(v2sf) =	vpush v12, $0xF;
	v12 =	vld [tilespmem:s26+$0xFFFFFFF0];
	(xrf0) =	vadd.scan.msk.s32 $0xffff, v24;
	v20, _, _ =	vpop (xrf0)  }
0xe6: {  	s28 =	simm.s32 $0x21C0;
	v27 =	vld [tilespmem:s26+$0x0];
	v26 =	vadd.s32 v4, v3;
	vm1 =	vlt.s32 v6, $0x1;
	(v2sf) =	vpush v17, $0xF;
	v17, _, _ =	vpop (xrf0);
	(xrf0) =	vadd.scan.msk.s32 $0xffff, v10  }
0xe7: {  	v28 =	vld [tilespmem:s28+$0x30];
	v5 =	vadd.s32 v5, v26;
	vm0 =	vlt.s32 v8, $0x1;
	(v2sf) =	vpush v19, $0xF;
	v19, _, _ =	vpop (xrf0)  }
0xe8: {  	v29 =	vld [tilespmem:s28+$0x10];
	v4 =	vnsel vm1, $0x1, v6;
	v3 =	vnsel vm0, $0x1, v8;
	(v2sf) =	vpush v17, $0xF;
	v17, _, _ =	vpop (xrf0)  }
0xe9: {  	v11 =	vld [tilespmem:s26+$0xFFFFFFD0];
	v5 =	vadd.s32 v5, v15;
	vm0 =	vlt.s32 v7, $0x1;
	(xrf0) =	vadd.scan.msk.s32 $0xffff, v3;
	(v2sf) =	vpush v17, $0xF  }
0xea: {  	v6 =	vld [tilespmem:s28+$0x20];
	(xrf0) =	vadd.scan.msk.s32 $0xffff, v4;
	vm1 =	vlt.s32 v12, $0x1;
	v17 =	vnsel vm0, $0x1, v7;
	v7, _, _ =	vpop (xrf0);
	(v2sf) =	vpush v13, $0xF  }
0xeb: {  	v5 =	vadd.s32 v14, v5;
	v8 =	vld [tilespmem:s28+$0xFFFFFFE0];
	v63 =	vnsel vm1, $0x1, v12;
	(xrf0) =	vadd.scan.msk.s32 $0xffff, v17;
	v12, _, _ =	vpop (xrf0);
	(v2sf) =	vpush v19, $0xF;
	s29 =	spop (v2sf)  }
0xec: {  	v5 =	vadd.s32 v9, v5;
	v13 =	vld [tilespmem:s28+$0xFFFFFFD0];
	(xrf0) =	vadd.scan.msk.s32 $0xffff, v63;
	(v2sf) =	vpush v12, $0xF;
	v12, _, _ =	vpop (xrf0);
	[smem:$0x0] =	sst s29  }
0xed: {  	v5 =	vadd.s32 v16, v5;
	s1 =	spop (v2sf)  }
0xee: {  	v5 =	vadd.s32 v24, v5;
	vm0 =	vlt.s32 v11, $0x1;
	(v2sf) =	vpush v12, $0xF;
	v14 =	vld [tilespmem:s28+$0xFFFFFFC0];
	[smem:$0x1] =	sst s1  }
0xef: {  	v10 =	vadd.s32 v10, v5;
	v9 =	vnsel vm0, $0x1, v11;
	s1 =	spop (v2sf)  }
0xf0: {  	vm0 =	vlt.s32 v8, $0x1;
	(v2sf) =	vpush v18, $0xF;
	v12 =	vld [tilespmem:s28+$0x0];
	(xrf0) =	vadd.scan.msk.s32 $0xffff, v9;
	[smem:$0x2] =	sst s1  }
0xf1: {  	v5 =	vnsel vm0, $0x1, v8;
	s1 =	spop (v2sf)  }
0xf2: {  	v8 =	vadd.s32 v22, v10;
	v16 =	vld [tilespmem:s28+$0xFFFFFFF0];
	(xrf0) =	vadd.scan.msk.s32 $0xffff, v5;
	(v2sf) =	vpush v20, $0xF;
	v10, _, _ =	vpop (xrf0);
	[smem:$0x3] =	sst s1  }
0xf3: {  	s21 =	simm.s32 $0x4;
	vm0 =	vlt.s32 v27, $0x1;
	v8 =	vadd.s32 v25, v8;
	s30 =	spop (v2sf)  }
0xf4: {  	v15 =	vnsel vm0, $0x1, v27;
	v8 =	vadd.s32 v8, v17;
	v11, _, _ =	vpop (xrf0);
	[smem:s21] =	sst s30;
	s31 =	spop (v2sf)  }
0xf5: {  	vm2 =	vlt.s32 v29, $0x1;
	vm0 =	vlt.s32 v62, $0x1;
	v8 =	vadd.s32 v9, v8;
	v18, _, _ =	vpop (xrf0);
	(xrf0) =	vadd.scan.msk.s32 $0xffff, v15;
	[smem:$0x5] =	sst s31  }
0xf6: {  	v19 =	vnsel vm0, $0x1, v62;
	vm0 =	vlt.s32 v6, $0x1;
	v8 =	vadd.s32 v23, v8;
	s0 =	spop (v2sf)  }
0xf7: {  	vm1 =	vlt.s32 v28, $0x1;
	v8 =	vadd.s32 v63, v8;
	v9 =	vnsel vm0, $0x1, v6;
	v17, _, _ =	vpop (xrf0);
	(xrf0) =	vadd.scan.msk.s32 $0xffff, v19;
	[smem:$0x6] =	sst s0  }
0xf8: {  	v6 =	vnsel vm2, $0x1, v29;
	v15 =	vadd.s32 v15, v8;
	v8 =	vnsel vm1, $0x1, v28;
	s0 =	spop (v2sf)  }
0xf9: {  	s22 =	simm.s32 $0x18;
	s23 =	simm.s32 $0x2240;
	vm1 =	vlt.s32 v13, $0x1;
	vm0 =	vlt.s32 v12, $0x1;
	v15 =	vadd.s32 v19, v15;
	[smem:$0x7] =	sst s0  }
.LBB2_6:
0xfa: {  	v19 =	vld [tilespmem:s23+$0xFFFFFFE0];
	s22 =	sadd.s32 $0x8, s22;
	vm2 =	vlt.s32 v14, $0x1;
	vm3 =	vlt.s32 v16, $0x1;
	(v2sf) =	vpush v18, $0xF;
	v18, _, _ =	vpop (xrf0);
	s21 =	sadd.s32 $0x8, s21  }
0xfb: {  	v20 =	vld [tilespmem:s23+$0x20];
	p0 =	slt.u32 s22, $0x1F8;
	v14 =	vnsel vm2, $0x1, v14;
	v21 =	vnsel vm3, $0x1, v16;
	v16, _, _ =	vpop (xrf0);
	(xrf0) =	vadd.scan.msk.s32 $0xffff, v9;
	(v2sf) =	vpush v18, $0xF  }
0xfc: {  	v18 =	vadd.s32 v3, v15;
	v15 =	vmovc v12;
	v22 =	vld [tilespmem:s23+$0x30];
	(xrf0) =	vadd.scan.msk.s32 $0xffff, v8;
	(v2sf) =	vpush v7, $0xF;
	v7 =	vmov v16  }
0xfd: {  	v3 =	vmov v9;
	v16 =	vadd.s32 v4, v18;
	v23 =	vld [tilespmem:s23+$0x10];
	(xrf0) =	vadd.scan.msk.s32 $0xffff, v14;
	(v2sf) =	vpush v17, $0xF;
	v12, _, _ =	vpop (xrf0);
	s0 =	spop (v2sf)  }
0xfe: {  	v4 =	vmov v8;
	v9 =	vadd.s32 v16, v14;
	v24 =	vld [tilespmem:s23+$0xFFFFFFD0];
	(xrf0) =	vadd.scan.msk.s32 $0xffff, v21;
	(v2sf) =	vpush v12, $0xF;
	v12, _, _ =	vpop (xrf0);
	[smem:s21+$0xFFFFFFFC] =	sst s0;
	s0 =	spop (v2sf)  }
0xff: {  	v8 =	vnsel vm1, $0x1, v13;
	v14 =	vld [tilespmem:s23+$0xFFFFFFC0];
	vm2 =	vlt.s32 v19, $0x1;
	(v2sf) =	vpush v12, $0xF;
	[smem:s21+$0xFFFFFFFD] =	sst s0;
	s0 =	spop (v2sf)  }
0x100: {  	v9 =	vadd.s32 v8, v9;
	v19 =	vnsel vm2, $0x1, v19;
	v12 =	vld [tilespmem:s23+$0x0];
	(xrf0) =	vadd.scan.msk.s32 $0xffff, v8;
	(v2sf) =	vpush v10, $0xF;
	[smem:s21+$0xFFFFFFFE] =	sst s0;
	s0 =	spop (v2sf)  }
0x101: {  	[smem:s21+$0xFFFFFFFF] =	sst s0  }
.Ltmp2:
0x102: {  	v5 =	vadd.s32 v5, v9;
	v16 =	vld [tilespmem:s23+$0xFFFFFFF0];
	(xrf0) =	vadd.scan.msk.s32 $0xffff, v19;
	v10, _, _ =	vpop (xrf0);
	(v2sf) =	vpush v11, $0xF;
	s0 =	spop (v2sf);
	(pc) =	sbr.rel @p0 .LBB2_6-.Ltmp2, $4  }
0x103: {  	v5 =	vadd.s32 v21, v5;
	v8 =	vnsel vm0, $0x1, v15;
	vm2 =	vlt.s32 v23, $0x1;
	v11, _, _ =	vpop (xrf0);
	[smem:s21] =	sst s0;
	s0 =	spop (v2sf)  }
0x104: {  	vm0 =	vlt.s32 v20, $0x1;
	vm1 =	vlt.s32 v22, $0x1;
	v21 =	vadd.s32 v8, v5;
	v18, _, _ =	vpop (xrf0);
	(xrf0) =	vadd.scan.msk.s32 $0xffff, v8;
	[smem:s21+$0x1] =	sst s0;
	s0 =	spop (v2sf)  }
0x105: {  	v9 =	vnsel vm0, $0x1, v20;
	v15 =	vadd.s32 v6, v21;
	v8 =	vnsel vm1, $0x1, v22;
	v17, _, _ =	vpop (xrf0);
	(xrf0) =	vadd.scan.msk.s32 $0xffff, v6;
	[smem:s21+$0x2] =	sst s0;
	s0 =	spop (v2sf)  }
0x106: {  	s23 =	sadd.s32 $0x80, s23;
	vm1 =	vlt.s32 v24, $0x1;
	v13 =	vmovc v24;
	v5 =	vmovc v19;
	v6 =	vnsel vm2, $0x1, v23;
	vm0 =	vlt.s32 v12, $0x1;
	[smem:s21+$0x3] =	sst s0  }
0x107: {  	vm2 =	vlt.s32 v14, $0x1;
	(xrf0) =	vadd.scan.msk.s32 $0xffff, v9  }
0x108: {  	vm3 =	vlt.s32 v16, $0x1;
	v14 =	vnsel vm2, $0x1, v14;
	(xrf0) =	vadd.scan.msk.s32 $0xffff, v8  }
0x109: {  	(v2sf) =	vpush v18, $0xF;
	v61, _, _ =	vpop (xrf0);
	v16 =	vnsel vm3, $0x1, v16;
	(xrf0) =	vadd.scan.msk.s32 $0xffff, v14  }
0x10a: {  	v13 =	vnsel vm1, $0x1, v13;
	v19, _, _ =	vpop (xrf0);
	(v2sf) =	vpush v61, $0xF;
	(xrf0) =	vadd.scan.msk.s32 $0xffff, v16  }
0x10b: {  	(v2sf) =	vpush v7, $0xF;
	v7, _, _ =	vpop (xrf0);
	(xrf0) =	vadd.scan.msk.s32 $0xffff, v13  }
0x10c: {  	(v2sf) =	vpush v17, $0xF;
	v62, _, _ =	vpop (xrf0)  }
0x10d: {  	v12 =	vnsel vm0, $0x1, v12;
	(v2sf) =	vpush v7, $0xF;
	v7, _, _ =	vpop (xrf0)  }
0x10e: {  	(v2sf) =	vpush v62, $0xF;
	(xrf0) =	vadd.scan.msk.s32 $0xffff, v12;
	v63, _, _ =	vpop (xrf0)  }
0x10f: {  	(v2sf) =	vpush v10, $0xF;
	(xrf0) =	vadd.scan.msk.s32 $0xffff, v6;
	v10, _, _ =	vpop (xrf0)  }
0x110: {  	s0 =	sadd.s32 $0x8, s21;
	s1 =	spop (v2sf);
	(v2sf) =	vpush v11, $0xF;
	v11, _, _ =	vpop (xrf0)  }
0x111: {  	[smem:s0+$0xFFFFFFFC] =	sst s1;
	s25 =	spop (v2sf);
	(v2sf) =	vpush v10, $0xF;
	v10, _, _ =	vpop (xrf0)  }
0x112: {  	[smem:s0+$0xFFFFFFFD] =	sst s25;
	s26 =	spop (v2sf);
	(v2sf) =	vpush v10, $0xF  }
0x113: {  	[smem:s0+$0xFFFFFFFE] =	sst s26;
	s2 =	spop (v2sf);
	(v2sf) =	vpush v19, $0xF  }
0x114: {  	[smem:s0+$0xFFFFFFFF] =	sst s2;
	s21 =	spop (v2sf);
	v10, _, _ =	vpop (xrf0);
	(v2sf) =	vpush v11, $0xF  }
0x115: {  	[smem:s0] =	sst s21;
	s22 =	spop (v2sf);
	(v2sf) =	vpush v10, $0xF;
	v10, _, _ =	vpop (xrf0)  }
0x116: {  	[smem:s0+$0x1] =	sst s22;
	s23 =	spop (v2sf);
	(v2sf) =	vpush v10, $0xF  }
0x117: {  	[smem:s0+$0x2] =	sst s23;
	s24 =	spop (v2sf);
	(v2sf) =	vpush v7, $0xF  }
0x118: {  	[smem:s0+$0x3] =	sst s24;
	s0 =	sadd.s32 $0x8, s0;
	s25 =	spop (v2sf);
	(v2sf) =	vpush v63, $0xF  }
0x119: {  	s2 =	spop (v2sf);
	[smem:s0+$0xFFFFFFFC] =	sst s25  }
0x11a: {  	s26 =	spop (v2sf);
	[smem:s0+$0xFFFFFFFD] =	sst s2  }
0x11b: {  	s21 =	spop (v2sf);
	[smem:s0+$0xFFFFFFFE] =	sst s26  }
0x11c: {  	[smem:s0+$0xFFFFFFFF] =	sst s21;
	s22 =	spop (v2sf)  }
0x11d: {  	[smem:s0] =	sst s22;
	s23 =	spop (v2sf)  }
0x11e: {  	[smem:s0+$0x1] =	sst s23;
	s24 =	spop (v2sf)  }
0x11f: {  	[smem:s0+$0x2] =	sst s24;
	s25 =	spop (v2sf)  }
0x120: {  	[smem:s0+$0x3] =	sst s25;
	s0 =	sadd.s32 $0x8, s0;
	s26 =	spop (v2sf)  }
0x121: {  	[smem:s0+$0xFFFFFFFC] =	sst s26;
	s2 =	spop (v2sf)  }
0x122: {  	v3 =	vadd.s32 v3, v15;
	[smem:s0+$0xFFFFFFFD] =	sst s2;
	s21 =	spop (v2sf)  }
0x123: {  	v3 =	vadd.s32 v4, v3;
	[smem:s0+$0xFFFFFFFE] =	sst s21;
	s22 =	spop (v2sf)  }
0x124: {  	v3 =	vadd.s32 v3, v14;
	[smem:s0+$0xFFFFFFFF] =	sst s22;
	s23 =	spop (v2sf)  }
0x125: {  	v3 =	vadd.s32 v13, v3;
	[smem:s0] =	sst s23;
	s24 =	spop (v2sf)  }
0x126: {  	v3 =	vadd.s32 v5, v3;
	[smem:s0+$0x1] =	sst s24;
	s25 =	spop (v2sf)  }
0x127: {  	v3 =	vadd.s32 v16, v3;
	[smem:s0+$0x2] =	sst s25;
	s26 =	spop (v2sf)  }
0x128: {  	v3 =	vadd.s32 v12, v3;
	s2 =	simm.s32 $0x2040;
	[smem:s0+$0x3] =	sst s26  }
0x129: {  	v3 =	vadd.s32 v6, v3;
	v6 =	vld [tilespmem:s2+$0xFFFFFFD0]  }
0x12a: {  	v3 =	vadd.s32 v9, v3  }
0x12b: {  	v3 =	vadd.s32 v8, v3;
	v7 =	vld [tilespmem:s2+$0xFFFFFFC0]  }
0x12c: {  	(xrf0) =	vadd.scan.msk.s32 $0xffff, v3  }
0x12d: {  	v8 =	vld [tilespmem:s2+$0xFFFFFFF0]  }
0x12e: {  	v9 =	vld [tilespmem:s2+$0x20];
	vm0 =	vlt.s32 v6, $0x1  }
0x12f: {  	v10 =	vld [tilespmem:s2+$0x0];
	v3 =	vnsel vm0, $0x1, v6  }
0x130: {  	v12 =	vld [tilespmem:s2+$0xFFFFFFE0];
	vm0 =	vlt.s32 v7, $0x1;
	(xrf0) =	vadd.scan.msk.s32 $0xffff, v3  }
0x131: {  	v5 =	vld [tilespmem:s2+$0x30];
	v3 =	vnsel vm0, $0x1, v7  }
0x132: {  	v4, _, _ =	vpop (xrf0);
	v11 =	vld [tilespmem:s2+$0x10];
	vm0 =	vlt.s32 v8, $0x1;
	(xrf0) =	vadd.scan.msk.s32 $0xffff, v3  }
0x133: {  	v3 =	vnsel vm0, $0x1, v8;
	vm0 =	vlt.s32 v9, $0x1;
	s0 =	sld [smem:$0x0]  }
0x134: {  	s21 =	sld [smem:$0x1];
	(xrf0) =	vadd.scan.msk.s32 $0xffff, v3;
	v3 =	vnsel vm0, $0x1, v9;
	vm0 =	vlt.s32 v10, $0x1  }
0x135: {  	v4 =	vbroadcast v4, $0xF;
	s24 =	sld [smem:$0x2];
	(xrf0) =	vadd.scan.msk.s32 $0xffff, v3;
	v3 =	vnsel vm0, $0x1, v10  }
0x136: {  	vm1 =	vlt.s32 v5, $0x1;
	vm4 =	vgt.s32 v8, $0x0;
	vm0 =	vlt.s32 v12, $0x1;
	s26 =	sld [smem:$0x3];
	(xrf0) =	vadd.scan.msk.s32 $0xffff, v3;
	v13, _, _ =	vpop (xrf0)  }
0x137: {  	vm3 =	vlt.s32 v11, $0x1;
	v8 =	vnsel vm1, $0x1, v5;
	v14 =	vnsel vm0, $0x1, v12;
	s0 =	sadd.s32 $0x0, s0;
	s22 =	sld [smem:$0x4]  }
0x138: {  	v3 =	vadd.s32 v0, v4;
	vm0 =	vgt.s32 v10, $0x0;
	v10 =	vadd.s32 s0, v13;
	s23 =	sld [smem:$0x5];
	v15, _, _ =	vpop (xrf0);
	(xrf0) =	vadd.scan.msk.s32 $0xffff, v14  }
0x139: {  	vm2 =	vgt.s32 v11, $0x0;
	s25 =	sld [smem:$0x6];
	(xrf0) =	vadd.scan.msk.s32 $0xffff, v8;
	v8 =	vnsel vm3, $0x1, v11;
	v11 =	vsub.s32 v3, v10  }
0x13a: {  	vm5 =	vgt.s32 v6, $0x0;
	s29 =	sadd.s32 s0, s21;
	v6 =	vadd.s32 $0x10, v11  }
0x13b: {  	s0 =	sadd.s32 s29, s24;
	v6 =	vsel vm5, v10, v6  }
0x13c: {  	vm6 =	vgt.s32 v7, $0x0;
	s24 =	simm.s32 $0x0;
	s30 =	sadd.s32 s0, s26;
	vm3 =	vgt.s32 v9, $0x0;
	s1 =	sld [smem:$0x7];
	v9, _, _ =	vpop (xrf0)  }
0x13d: {  	vm1 =	vgt.s32 v12, $0x0;
	(xrf0) =	vadd.scan.msk.s32 $0xffff, v8;
	s28 =	sadd.s32 s30, s22;
	v8 =	vadd.s32 s0, v9;
	v10 =	vadd.s32 s24, v15  }
0x13e: {  	s26 =	sadd.s32 s28, s23;
	vm5 =	vlt.s32 v6, v2;
	v7 =	vsub.s32 v3, v8;
	v11 =	vsub.s32 v3, v10;
	v6, _, _ =	vpop (xrf0)  }
0x13f: {  	v12 =	vadd.s32 $0x30, v7;
	v7 =	vadd.s32 s26, v6;
	v6 =	vsel vm6, v10, v11  }
0x140: {  	v8 =	vsel vm4, v8, v12;
	v9, _, _ =	vpop (xrf0);
	vm4 =	vlt.s32 v6, v2;
	v6 =	vsub.s32 v3, v7  }
0x141: {  	s21 =	simm.s32 $0x6040;
	v11, _, _ =	vpop (xrf0)  }
0x142: {  	v4 =	vadd.s32 $0x80, v3;
	s22 =	simm.s32 $0x6040;
	s23 =	simm.s32 $0x4;
	s31 =	sadd.s32 s26, s25;
	v10 =	vsel vm5, $0x1, v1;
	vm5 =	vlt.s32 v8, v2;
	v13, _, _ =	vpop (xrf0)  }
0x143: {  	s24 =	simm.s32 $0x0;
	s25 =	simm.s32 $0x20C0;
	s26 =	sadd.s32 s31, s1;
	[tilespmem:s22+$0xFFFFFFD0] =	vst v10;
	v8 =	vsel vm5, $0x1, v1;
	v10 =	vsel vm4, $0x1, v1;
	v12 =	vadd.s32 $0x60, v6;
	v6, _, _ =	vpop (xrf0)  }
.LBB2_8:
0x144: {  	v9 =	vadd.s32 s30, v9  }
0x145: {  	v14 =	vld [tilespmem:s25+$0xFFFFFFD0];
	s24 =	sadd.s32 $0x8, s24;
	v13 =	vadd.s32 s31, v13;
	vm4 =	vgt.s32 v5, $0x0;
	s22 =	sadd.s32 $0x80, s22;
	s23 =	sadd.s32 $0x8, s23;
	v15 =	vmovc v4;
	vm5 =	vmmov vm2  }
0x146: {  	v4 =	vadd.s32 $0x80, v4;
	v5 =	vadd.s32 s29, v11;
	v16 =	vld [tilespmem:s25+$0xFFFFFFC0];
	p0 =	slt.u32 s24, $0x1F8;
	v11 =	vsub.s32 v3, v9  }
0x147: {  	v7 =	vsel vm3, v7, v12;
	v18 =	vsub.s32 v3, v5;
	v17 =	vld [tilespmem:s25+$0xFFFFFFF0];
	v11 =	vadd.s32 $0x40, v11  }
0x148: {  	v12 =	vld [tilespmem:s25+$0x20];
	[tilespmem:s21+$0xFFFFFFC0] =	vst v10;
	v10 =	vadd.s32 $0x20, v18;
	v9 =	vsel vm0, v9, v11;
	v11 =	vsub.s32 v3, v13  }
0x149: {  	v18 =	vld [tilespmem:s25+$0x0];
	v5 =	vsel vm1, v5, v10;
	vm0 =	vlt.s32 v9, v2;
	v9 =	vadd.s32 $0x70, v11  }
0x14a: {  	vm1 =	vlt.s32 v14, $0x1;
	v10 =	vld [tilespmem:s25+$0x10];
	v11 =	vsel vm0, $0x1, v1;
	v9 =	vsel vm4, v13, v9  }
0x14b: {  	v13 =	vnsel vm1, $0x1, v14;
	v19 =	vld [tilespmem:s25+$0xFFFFFFE0];
	vm1 =	vlt.s32 v5, v2;
	[tilespmem:s21+$0xFFFFFFF0] =	vst v8;
	vm6 =	vlt.s32 v9, v2  }
0x14c: {  	vm0 =	vlt.s32 v16, $0x1;
	vm2 =	vlt.s32 v17, $0x1;
	vm4 =	vgt.s32 v17, $0x0;
	v5 =	vld [tilespmem:s25+$0x30];
	(xrf0) =	vadd.scan.msk.s32 $0xffff, v13  }
0x14d: {  	v6 =	vadd.s32 s28, v6;
	v8 =	vnsel vm0, $0x1, v16;
	v9 =	vnsel vm2, $0x1, v17;
	[tilespmem:s21+$0x0] =	vst v11  }
0x14e: {  	vm2 =	vlt.s32 v18, $0x1;
	vm0 =	vgt.s32 v18, $0x0;
	(xrf0) =	vadd.scan.msk.s32 $0xffff, v8;
	v8 =	vsel vm1, $0x1, v1  }
0x14f: {  	vm1 =	vlt.s32 v12, $0x1;
	s0 =	sld [smem:s23+$0xFFFFFFFC];
	v11 =	vnsel vm2, $0x1, v18;
	vm2 =	vgt.s32 v10, $0x0;
	[tilespmem:s21+$0xFFFFFFE0] =	vst v8  }
0x150: {  	v8 =	vnsel vm1, $0x1, v12;
	s1 =	sld [smem:s23+$0xFFFFFFFD];
	vm3 =	vlt.s32 v19, $0x1;
	(xrf0) =	vadd.scan.msk.s32 $0xffff, v9;
	v9 =	vsub.s32 v3, v6;
	v3 =	vmovc v15  }
0x151: {  	vm1 =	vgt.s32 v19, $0x0;
	v13 =	vnsel vm3, $0x1, v19;
	s2 =	sld [smem:s23+$0xFFFFFFFE];
	vm3 =	vlt.s32 v5, $0x1;
	(xrf0) =	vadd.scan.msk.s32 $0xffff, v8  }
0x152: {  	vm7 =	vlt.s32 v10, $0x1;
	v9 =	vadd.s32 $0x50, v9;
	s0 =	sadd.s32 s26, s0;
	s28 =	sld [smem:s23+$0xFFFFFFFF];
	v8 =	vnsel vm3, $0x1, v5;
	v15, _, _ =	vpop (xrf0);
	(xrf0) =	vadd.scan.msk.s32 $0xffff, v11  }
0x153: {  	v10 =	vnsel vm7, $0x1, v10;
	v6 =	vsel vm5, v6, v9;
	v11 =	vadd.s32 s0, v15;
	s29 =	sadd.s32 s0, s1;
	s0 =	sld [smem:s23+$0x0]  }
0x154: {  	vm3 =	vgt.s32 v12, $0x0;
	vm5 =	vlt.s32 v6, v2;
	v9 =	vsub.s32 v3, v11;
	s1 =	sadd.s32 s29, s2;
	s2 =	sld [smem:s23+$0x1];
	v12, _, _ =	vpop (xrf0);
	(xrf0) =	vadd.scan.msk.s32 $0xffff, v13  }
0x155: {  	vm8 =	vlt.s32 v7, v2;
	vm7 =	vgt.s32 v14, $0x0;
	v6 =	vadd.s32 $0x10, v9;
	s30 =	sadd.s32 s1, s28;
	s31 =	sld [smem:s23+$0x2];
	(xrf0) =	vadd.scan.msk.s32 $0xffff, v8  }
0x156: {  	vm9 =	vgt.s32 v16, $0x0;
	v8 =	vsel vm6, $0x1, v1;
	v6 =	vsel vm7, v11, v6;
	s28 =	sadd.s32 s30, s0;
	s0 =	sld [smem:s23+$0x3];
	v7, _, _ =	vpop (xrf0);
	(xrf0) =	vadd.scan.msk.s32 $0xffff, v10  }
0x157: {  	v10 =	vsel vm8, $0x1, v1;
	vm6 =	vlt.s32 v6, v2;
	v6 =	vadd.s32 s1, v7;
	s1 =	sadd.s32 s28, s2;
	v7, _, _ =	vpop (xrf0);
	[tilespmem:s21+$0x30] =	vst v8  }
.Ltmp3:
0x158: {  	v8 =	vadd.s32 s26, v12;
	v12 =	vsel vm5, $0x1, v1;
	v14 =	vsub.s32 v3, v6;
	s31 =	sadd.s32 s1, s31;
	v9, _, _ =	vpop (xrf0);
	[tilespmem:s21+$0x20] =	vst v10;
	(pc) =	sbr.rel @p0 .LBB2_8-.Ltmp3, $4  }
0x159: {  	v10 =	vsub.s32 v3, v8;
	v7 =	vadd.s32 s1, v7;
	v15 =	vadd.s32 $0x30, v14;
	s26 =	sadd.s32 s31, s0;
	[tilespmem:s21+$0x10] =	vst v12;
	s21 =	smov.u32 s22  }
0x15a: {  	v8 =	vsel vm9, v8, v10;
	v10 =	vsel vm6, $0x1, v1;
	v15 =	vsel vm4, v6, v15;
	v11, _, _ =	vpop (xrf0)  }
0x15b: {  	v14 =	vsub.s32 v3, v7;
	vm4 =	vlt.s32 v8, v2;
	[tilespmem:s22+$0xFFFFFFD0] =	vst v10;
	vm5 =	vlt.s32 v15, v2;
	v13, _, _ =	vpop (xrf0)  }
0x15c: {  	s25 =	sadd.s32 $0x80, s25;
	v12 =	vadd.s32 $0x60, v14;
	v10 =	vsel vm4, $0x1, v1;
	v8 =	vsel vm5, $0x1, v1;
	v6, _, _ =	vpop (xrf0)  }
0x15d: {  	v4 =	vadd.s32 s30, v9;
	v54 =	vadd.s32 s31, v13;
	vm4 =	vgt.s32 v5, $0x0  }
0x15e: {  	v55 =	vadd.s32 s29, v11;
	vm2 =	vmmov vm2;
	v7 =	vsel vm3, v7, v12  }
0x15f: {  	v6 =	vadd.s32 s28, v6;
	v56 =	vsub.s32 v3, v4;
	v57 =	vsub.s32 v3, v55  }
0x160: {  	v59 =	vsub.s32 v3, v54;
	v3 =	vsub.s32 v3, v6;
	v11 =	vadd.s32 $0x40, v56  }
0x161: {  	vm13 =	vlt.s32 v7, v2;
	v58 =	vadd.s32 $0x20, v57;
	v4 =	vsel vm0, v4, v11  }
0x162: {  	[tilespmem:s21+$0xFFFFFFC0] =	vst v10;
	v60 =	vadd.s32 $0x70, v59;
	v5 =	vsel vm1, v55, v58;
	vm0 =	vlt.s32 v4, v2  }
0x163: {  	[tilespmem:s21+$0xFFFFFFF0] =	vst v8;
	v3 =	vadd.s32 $0x50, v3;
	vm11 =	vlt.s32 v5, v2;
	v61 =	vsel vm0, $0x1, v1  }
0x164: {  	v3 =	vsel vm2, v6, v3;
	v4 =	vsel vm4, v54, v60;
	v62 =	vsel vm11, $0x1, v1;
	[tilespmem:s21+$0x0] =	vst v61  }
0x165: {  	vm14 =	vlt.s32 v3, v2;
	vm12 =	vlt.s32 v4, v2;
	v2 =	vsel vm13, $0x1, v1;
	[tilespmem:s21+$0xFFFFFFE0] =	vst v62  }
0x166: {  	v3 =	vsel vm14, $0x1, v1;
	[tilespmem:s21+$0x20] =	vst v2  }
0x167: {  	v63 =	vsel vm12, $0x1, v1;
	[tilespmem:s21+$0x10] =	vst v3  }
0x168: {  	[tilespmem:s21+$0x30] =	vst v63  }
0x169: {  	v2 =	vld [tilespmem:$0x6000];
	_ =	sdelay $0x3  }
0x16a: {  	vm15 =	veq.s32 v0, $0x0  }
0x16b: {  	v2 =	vsel vm15, $0x1, v2  }
0x16c: {  	s20 =	sadd.s32 $0x1, s20;
	[tilespmem:$0x6000] =	vst v2  }
0x16d: {  	[hbm4b:s7+s9] =	stream.strided.scatter [tilespmem:s17], [sflag:$0x4], $0x2000, s10, s9, $0x38;
	[tilespmem:$0x8080] =	vst v63  }
0x16e: {  	p0 =	sne.s32 s20, s8;
	_ =	swait.ge [sflag:s18], $0x2000  }
.Ltmp4:
0x16f: {  	[sflag:s18] =	ssyncset.done $0x0;
	(pc) =	sbr.rel @p0 .LBB2_1-.Ltmp4, $4  }
0x170: {  	[sflag:s18] =	ssyncadd.s32 $0xFFFFE000  }
0x171: {  	_ =	swait.ge [sflag:s19], $0x2000  }
0x172: {  	[sflag:s19] =	ssyncset.done $0x0  }
0x173: {  	[sflag:s19] =	ssyncadd.s32 $0xFFFFE000  }
0x174: {  	_ =	sfence.sel $0x180000  }
0x175: {  	[bflag:$0x0] =	sbarrier.arrive $0xFFFF  }
0x176: {  	_ =	strace $0x90000047  }
0x177: {  	s0 =	stileid.u32;
	[bflag:$0x2] =	sbarrier.arrive $0xFFFF  }
0x178: {  	p0 =	sne.s32 s0, $0x0;
	s0 =	rddreg [dreg:$0x3]  }
0x179: {  	s0 =	sadd.s32 @!p0 $0x100000, s0  }
0x17a: {  	[sflag:s0] =	ssyncadd.tile.s32 @!p0 $0x1;
	_ =	shalt  }
.Lfunc_end2:
_tile_overlayer_lowered:
.L_overlay_start_2:
0x17b: {  	(tag) =	ssettag $0x2  }
0x17c: {  	s0 =	rddreg [dreg:$0x0];
	s2 =	stileid.u32  }
0x17d: {  	s1 =	rddreg [dreg:$0x1];
	p0 =	sne.s32 s2, $0x0  }
0x17e: {  	s3 =	rddreg [dreg:$0x2];
	[bflag:$0x3] =	sbarrier.arrive $0xFFFF;
	s2 =	simm.s32 @!p0 $0x1C05  }
0x17f: {  	[timem:s3], [sflag:s2] =	dma.local @!p0 [hbm:s0], s1  }
0x180: {  	s0 =	simm.s32 @!p0 $0x5  }
0x181: {  	_ =	swait.ge @!p0 [sflag:s0], s1  }
0x182: {  	s1 =	ssub.s32 @!p0 $0x0, s1;
	[sflag:s0] =	ssyncset.done @!p0 $0x0  }
0x183: {  	[sflag:s0] =	ssyncadd.s32 @!p0 s1  }
0x184: {  	[bflag:$0x3] =	sbarrier.arrive $0xFFFF  }
0x185: {  	_ =	shalt  }

</sc_bundles>
